<compile_context>
chip_gen: v7x
topology: tpu7x:2x2x1
jax: 0.10.2.dev20260603
libtpu: 0.0.44.dev20260713+nightly
codegen_flags: <defaults>
</compile_context>

<pallas_src>
import functools

import jax
import jax.numpy as jnp
from jax import lax
from jax.experimental import pallas as pl
from jax.experimental.pallas import tpu as pltpu
from jax.experimental.pallas import tpu_sc as plsc

N_NODES = 10000
D = 128
E = 320000

NC, NS = 2, 16
NW = NC * NS
N_PAD = 10240
ROWS_PER_SUB = N_PAD // NS
UNIT = 128
UNITS = -(-E // (NW * UNIT))
EPW_PAD = UNITS * UNIT


def _sc_aggregate():
    mesh = plsc.VectorSubcoreMesh(core_axis_name="c", subcore_axis_name="s")

    @functools.partial(
        pl.kernel,
        mesh=mesh,
        out_type=[
            jax.ShapeDtypeStruct((NC, N_PAD, D), jnp.float32),
            jax.ShapeDtypeStruct((NC, N_PAD), jnp.float32),
        ],
        scratch_types=[
            pltpu.VMEM_SHARED((N_PAD, D), jnp.float32),
            pltpu.VMEM_SHARED((N_PAD,), jnp.float32),
            pltpu.VMEM((UNITS, UNIT), jnp.int32),
            pltpu.VMEM((UNITS, UNIT), jnp.int32),
            pltpu.VMEM((UNIT, D), jnp.float32),
            pltpu.VMEM((UNIT,), jnp.float32),
            pltpu.VMEM((ROWS_PER_SUB,), jnp.float32),
            pltpu.SemaphoreType.DMA,
        ],
    )
    def sc_agg(x_h, src_h, dst_h, sums_h, deg_h,
               sums_sh, deg_sh, src_v, dst_v, rows_v, ones_v, zcol_v, sem):
        c = lax.axis_index("c")
        s = lax.axis_index("s")
        w = c * NS + s

        for i in range(UNIT // 16):
            ones_v[pl.ds(i * 16, 16)] = jnp.full((16,), 1.0, jnp.float32)

        def zrow(i, carry):
            for k in range(D // 16):
                rows_v[i, pl.ds(k * 16, 16)] = jnp.zeros((16,), jnp.float32)
            return carry
        lax.fori_loop(0, UNIT, zrow, 0)

        def zcol(i, carry):
            zcol_v[pl.ds(i * 16, 16)] = jnp.zeros((16,), jnp.float32)
            return carry
        lax.fori_loop(0, ROWS_PER_SUB // 16, zcol, 0)

        for k in range(ROWS_PER_SUB // UNIT):
            pltpu.sync_copy(rows_v,
                            sums_sh.at[pl.ds(s * ROWS_PER_SUB + k * UNIT, UNIT)])
        pltpu.sync_copy(zcol_v, deg_sh.at[pl.ds(s * ROWS_PER_SUB, ROWS_PER_SUB)])
        plsc.subcore_barrier()

        pltpu.sync_copy(src_h.at[w], src_v)
        pltpu.sync_copy(dst_h.at[w], dst_v)

        def body(j, carry):
            pltpu.async_copy(x_h.at[src_v.at[j]], rows_v, sem).wait()
            pltpu.sync_copy(rows_v, sums_sh.at[dst_v.at[j]], add=True)
            pltpu.sync_copy(ones_v, deg_sh.at[dst_v.at[j]], add=True)
            return carry
        lax.fori_loop(0, UNITS, body, 0)
        plsc.subcore_barrier()

        pltpu.sync_copy(sums_sh.at[pl.ds(s * ROWS_PER_SUB, ROWS_PER_SUB)],
                        sums_h.at[c, pl.ds(s * ROWS_PER_SUB, ROWS_PER_SUB)])
        pltpu.sync_copy(deg_sh.at[pl.ds(s * ROWS_PER_SUB, ROWS_PER_SUB)],
                        deg_h.at[c, pl.ds(s * ROWS_PER_SUB, ROWS_PER_SUB)])

    return sc_agg


_SC_AGG = _sc_aggregate()

BLK = 1024
GRID = N_PAD // BLK


def _tc_body(x_ref, sums_ref, degb_ref, w_ref, b_ref, o_ref):
    ssum = sums_ref[0] + sums_ref[1]
    deg = degb_ref[0] + degb_ref[1]
    agg = ssum * (1.0 / jnp.maximum(deg, 1.0))
    o_ref[...] = (
        jnp.dot(x_ref[...], w_ref[:D], preferred_element_type=jnp.float32)
        + jnp.dot(agg, w_ref[D:], preferred_element_type=jnp.float32)
        + b_ref[...]
    )


_TC_FC = pl.pallas_call(
    _tc_body,
    grid=(GRID,),
    in_specs=[
        pl.BlockSpec((BLK, D), lambda i: (i, 0)),
        pl.BlockSpec((NC, BLK, D), lambda i: (0, i, 0)),
        pl.BlockSpec((NC, BLK, D), lambda i: (0, i, 0)),
        pl.BlockSpec((2 * D, D), lambda i: (0, 0)),
        pl.BlockSpec((1, D), lambda i: (0, 0)),
    ],
    out_specs=pl.BlockSpec((BLK, D), lambda i: (i, 0)),
    out_shape=jax.ShapeDtypeStruct((N_PAD, D), jnp.float32),
)


def kernel(x, edge_index, W, b):
    src = edge_index[0].astype(jnp.int32)
    dst = edge_index[1].astype(jnp.int32)
    pad = NW * EPW_PAD - E
    src_p = jnp.concatenate([src, jnp.zeros((pad,), jnp.int32)]).reshape(
        NW, UNITS, UNIT)
    dst_p = jnp.concatenate([dst, jnp.full((pad,), N_PAD - 1, jnp.int32)]
                            ).reshape(NW, UNITS, UNIT)
    sums, deg = _SC_AGG(x, src_p, dst_p)
    x_p = jnp.pad(x, ((0, N_PAD - N_NODES), (0, 0)))
    deg_b = jnp.broadcast_to(deg[:, :, None], (NC, N_PAD, D))
    out = _TC_FC(x_p, sums, deg_b, W, b.reshape(1, D))
    return out[:N_NODES]

# --- scband reference (transcript-rebuilt; emitter-appended) ---
"""Pipeline reference for scband-sagelayer-11587821765008 (READ-ONLY COPY).

The authoritative reference and input builder live on the scoring server;
editing this copy changes nothing except your own understanding.
"""

import jax, jax.numpy as jnp
import numpy as np

N_NODES = 10000
N_EDGES = 320000
D_IN = 128
D_OUT = 128

def setup_inputs(seed: int = 0) -> dict:
    key = jax.random.key(seed)
    k1, k2, k3, k4, k5 = jax.random.split(key, 5)
    x = jax.random.normal(k1, (N_NODES, D_IN), dtype=jnp.float32)
    edge_index = jax.random.randint(k2, (2, N_EDGES), 0, N_NODES, dtype=jnp.int64)
    # fc: Linear(2*in_feats, out_feats). Store W as [2*D_IN, D_OUT] (transpose of torch layout).
    bound = 1.0 / np.sqrt(2 * D_IN)
    W = jax.random.uniform(k3, (2 * D_IN, D_OUT), dtype=jnp.float32, minval=-bound, maxval=bound)
    b = jax.random.uniform(k4, (D_OUT,), dtype=jnp.float32, minval=-bound, maxval=bound)
    return {"x": x, "edge_index": edge_index, "W": W, "b": b}

def reference(x, edge_index, W, b):
    # MeanAggregator: row-normalized adjacency spmm -> mean of neighbor features per dst node.
    src = edge_index[0]
    dst = edge_index[1]
    gathered = jnp.take(x, src, axis=0)                      # gather [E, D_IN]
    summed = jax.ops.segment_sum(gathered, dst, num_segments=N_NODES)  # scatter-add
    deg = jax.ops.segment_sum(jnp.ones((N_EDGES,), dtype=x.dtype), dst, num_segments=N_NODES)
    deg = jnp.maximum(deg, 1.0)
    agg = summed / deg[:, None]
    out = jnp.concatenate([x, agg], axis=-1)                 # [N, 2*D_IN]
    out = out @ W + b                                        # fc
    # normalize=False, norm=None, activation=None, residual=False, dropout=0 -> done
    return out

if __name__ == "__main__":
    import jax
    _d = setup_inputs()
    print(jax.jit(kernel)(*tuple(_d.values())))

</pallas_src>

<mosaic_0001>
#map = affine_map<(d0, d1) -> (0, 0)>
#map1 = affine_map<(d0, d1) -> (0, 0, 0)>
module attributes {stable_mosaic.version = 14 : i64} {
  func.func @sc_agg(%arg0: i32, %arg1: i32, %arg2: memref<10000x128xf32, #tpu.memory_space<hbm>>, %arg3: memref<32x79x128xi32, #tpu.memory_space<hbm>>, %arg4: memref<32x79x128xi32, #tpu.memory_space<hbm>>, %arg5: memref<2x10240x128xf32, #tpu.memory_space<hbm>>, %arg6: memref<2x10240xf32, #tpu.memory_space<hbm>>, %arg7: memref<10240x128xf32, #tpu.memory_space<vmem_shared>>, %arg8: memref<10240xf32, #tpu.memory_space<vmem_shared>>, %arg9: memref<79x128xi32, #tpu.memory_space<vmem>>, %arg10: memref<79x128xi32, #tpu.memory_space<vmem>>, %arg11: memref<128x128xf32, #tpu.memory_space<vmem>>, %arg12: memref<128xf32, #tpu.memory_space<vmem>>, %arg13: memref<640xf32, #tpu.memory_space<vmem>>, %arg14: memref<!tpu.dma_semaphore, #tpu.memory_space<semaphore_mem>>) attributes {dimension_semantics = [#tpu.dimension_semantics<core_parallel>, #tpu.dimension_semantics<subcore_parallel>], iteration_bounds = array<i64: 2, 16>, scalar_prefetch = 0 : i64, scratch_operands = 8 : i64, tpu.core_type = #tpu.core_type<sc_vector_subcore>, window_params = [{transform_indices = #map}, {transform_indices = #map1}, {transform_indices = #map1}, {transform_indices = #map1}, {transform_indices = #map}]} {
    %mul3A = arith.constant 16 : i32
    %mul3A_0 = arith.muli %arg0, %mul3A : i32
    %add3A = arith.addi %mul3A_0, %arg1 : i32
    %broadcast_in_dim3A = arith.constant 1.000000e+00 : f32
    %broadcast_in_dim3A_1 = vector.broadcast %broadcast_in_dim3A : f32 to vector<16xf32>
    %swap3A = arith.constant 0 : index
    %swap3A_2 = tpu.vector_load %arg12[%swap3A] {strides = array<i32>} : memref<128xf32, #tpu.memory_space<vmem>>, vector<16xf32>,
    %swap3A_3 = vector.shape_cast %swap3A_2 : vector<16xf32> to vector<16xf32>
    %swap3A_4 = vector.shape_cast %broadcast_in_dim3A_1 : vector<16xf32> to vector<16xf32>
    tpu.vector_store %arg12[%swap3A], %swap3A_4 {strides = array<i32>} : memref<128xf32, #tpu.memory_space<vmem>>, vector<16xf32>,
    %broadcast_in_dim3A_5 = arith.constant 1.000000e+00 : f32
    %broadcast_in_dim3A_6 = vector.broadcast %broadcast_in_dim3A_5 : f32 to vector<16xf32>
    %swap3A_7 = arith.constant 16 : index
    %swap3A_8 = tpu.vector_load %arg12[%swap3A_7] {strides = array<i32>} : memref<128xf32, #tpu.memory_space<vmem>>, vector<16xf32>,
    %swap3A_9 = vector.shape_cast %swap3A_8 : vector<16xf32> to vector<16xf32>
    %swap3A_10 = vector.shape_cast %broadcast_in_dim3A_6 : vector<16xf32> to vector<16xf32>
    tpu.vector_store %arg12[%swap3A_7], %swap3A_10 {strides = array<i32>} : memref<128xf32, #tpu.memory_space<vmem>>, vector<16xf32>,
    %broadcast_in_dim3A_11 = arith.constant 1.000000e+00 : f32
    %broadcast_in_dim3A_12 = vector.broadcast %broadcast_in_dim3A_11 : f32 to vector<16xf32>
    %swap3A_13 = arith.constant 32 : index
    %swap3A_14 = tpu.vector_load %arg12[%swap3A_13] {strides = array<i32>} : memref<128xf32, #tpu.memory_space<vmem>>, vector<16xf32>,
    %swap3A_15 = vector.shape_cast %swap3A_14 : vector<16xf32> to vector<16xf32>
    %swap3A_16 = vector.shape_cast %broadcast_in_dim3A_12 : vector<16xf32> to vector<16xf32>
    tpu.vector_store %arg12[%swap3A_13], %swap3A_16 {strides = array<i32>} : memref<128xf32, #tpu.memory_space<vmem>>, vector<16xf32>,
    %broadcast_in_dim3A_17 = arith.constant 1.000000e+00 : f32
    %broadcast_in_dim3A_18 = vector.broadcast %broadcast_in_dim3A_17 : f32 to vector<16xf32>
    %swap3A_19 = arith.constant 48 : index
    %swap3A_20 = tpu.vector_load %arg12[%swap3A_19] {strides = array<i32>} : memref<128xf32, #tpu.memory_space<vmem>>, vector<16xf32>,
    %swap3A_21 = vector.shape_cast %swap3A_20 : vector<16xf32> to vector<16xf32>
    %swap3A_22 = vector.shape_cast %broadcast_in_dim3A_18 : vector<16xf32> to vector<16xf32>
    tpu.vector_store %arg12[%swap3A_19], %swap3A_22 {strides = array<i32>} : memref<128xf32, #tpu.memory_space<vmem>>, vector<16xf32>,
    %broadcast_in_dim3A_23 = arith.constant 1.000000e+00 : f32
    %broadcast_in_dim3A_24 = vector.broadcast %broadcast_in_dim3A_23 : f32 to vector<16xf32>
    %swap3A_25 = arith.constant 64 : index
    %swap3A_26 = tpu.vector_load %arg12[%swap3A_25] {strides = array<i32>} : memref<128xf32, #tpu.memory_space<vmem>>, vector<16xf32>,
    %swap3A_27 = vector.shape_cast %swap3A_26 : vector<16xf32> to vector<16xf32>
    %swap3A_28 = vector.shape_cast %broadcast_in_dim3A_24 : vector<16xf32> to vector<16xf32>
    tpu.vector_store %arg12[%swap3A_25], %swap3A_28 {strides = array<i32>} : memref<128xf32, #tpu.memory_space<vmem>>, vector<16xf32>,
    %broadcast_in_dim3A_29 = arith.constant 1.000000e+00 : f32
    %broadcast_in_dim3A_30 = vector.broadcast %broadcast_in_dim3A_29 : f32 to vector<16xf32>
    %swap3A_31 = arith.constant 80 : index
    %swap3A_32 = tpu.vector_load %arg12[%swap3A_31] {strides = array<i32>} : memref<128xf32, #tpu.memory_space<vmem>>, vector<16xf32>,
    %swap3A_33 = vector.shape_cast %swap3A_32 : vector<16xf32> to vector<16xf32>
    %swap3A_34 = vector.shape_cast %broadcast_in_dim3A_30 : vector<16xf32> to vector<16xf32>
    tpu.vector_store %arg12[%swap3A_31], %swap3A_34 {strides = array<i32>} : memref<128xf32, #tpu.memory_space<vmem>>, vector<16xf32>,
    %broadcast_in_dim3A_35 = arith.constant 1.000000e+00 : f32
    %broadcast_in_dim3A_36 = vector.broadcast %broadcast_in_dim3A_35 : f32 to vector<16xf32>
    %swap3A_37 = arith.constant 96 : index
    %swap3A_38 = tpu.vector_load %arg12[%swap3A_37] {strides = array<i32>} : memref<128xf32, #tpu.memory_space<vmem>>, vector<16xf32>,
    %swap3A_39 = vector.shape_cast %swap3A_38 : vector<16xf32> to vector<16xf32>
    %swap3A_40 = vector.shape_cast %broadcast_in_dim3A_36 : vector<16xf32> to vector<16xf32>
    tpu.vector_store %arg12[%swap3A_37], %swap3A_40 {strides = array<i32>} : memref<128xf32, #tpu.memory_space<vmem>>, vector<16xf32>,
    %broadcast_in_dim3A_41 = arith.constant 1.000000e+00 : f32
    %broadcast_in_dim3A_42 = vector.broadcast %broadcast_in_dim3A_41 : f32 to vector<16xf32>
    %swap3A_43 = arith.constant 112 : index
    %swap3A_44 = tpu.vector_load %arg12[%swap3A_43] {strides = array<i32>} : memref<128xf32, #tpu.memory_space<vmem>>, vector<16xf32>,
    %swap3A_45 = vector.shape_cast %swap3A_44 : vector<16xf32> to vector<16xf32>
    %swap3A_46 = vector.shape_cast %broadcast_in_dim3A_42 : vector<16xf32> to vector<16xf32>
    tpu.vector_store %arg12[%swap3A_43], %swap3A_46 {strides = array<i32>} : memref<128xf32, #tpu.memory_space<vmem>>, vector<16xf32>,
    %scan3A = arith.constant 0 : i32
    %scan3A_47 = arith.constant 0 : i32
    %scan3A_48 = arith.constant 128 : i32
    %scan3A_49 = arith.addi %scan3A_47, %scan3A_48 : i32
    %scan3A_50 = arith.constant 1 : i32
    scf.for %scan3A_95 = %scan3A_47 to %scan3A_49 step %scan3A_50  : i32 {
      %broadcast_in_dim3A_96 = arith.constant 0.000000e+00 : f32
      %broadcast_in_dim3A_97 = vector.broadcast %broadcast_in_dim3A_96 : f32 to vector<16xf32>
      %swap3A_98 = arith.index_cast %scan3A_95 : i32 to index
      %swap3A_99 = arith.constant 0 : index
      %swap3A_100 = tpu.vector_load %arg11[%swap3A_98, %swap3A_99] {strides = array<i32>} : memref<128x128xf32, #tpu.memory_space<vmem>>, vector<1x16xf32>,
      %swap3A_101 = vector.shape_cast %swap3A_100 : vector<1x16xf32> to vector<16xf32>
      %swap3A_102 = vector.shape_cast %broadcast_in_dim3A_97 : vector<16xf32> to vector<1x16xf32>
      tpu.vector_store %arg11[%swap3A_98, %swap3A_99], %swap3A_102 {strides = array<i32>} : memref<128x128xf32, #tpu.memory_space<vmem>>, vector<1x16xf32>,
      %broadcast_in_dim3A_103 = arith.constant 0.000000e+00 : f32
      %broadcast_in_dim3A_104 = vector.broadcast %broadcast_in_dim3A_103 : f32 to vector<16xf32>
      %swap3A_105 = arith.index_cast %scan3A_95 : i32 to index
      %swap3A_106 = arith.constant 16 : index
      %swap3A_107 = tpu.vector_load %arg11[%swap3A_105, %swap3A_106] {strides = array<i32>} : memref<128x128xf32, #tpu.memory_space<vmem>>, vector<1x16xf32>,
      %swap3A_108 = vector.shape_cast %swap3A_107 : vector<1x16xf32> to vector<16xf32>
      %swap3A_109 = vector.shape_cast %broadcast_in_dim3A_104 : vector<16xf32> to vector<1x16xf32>
      tpu.vector_store %arg11[%swap3A_105, %swap3A_106], %swap3A_109 {strides = array<i32>} : memref<128x128xf32, #tpu.memory_space<vmem>>, vector<1x16xf32>,
      %broadcast_in_dim3A_110 = arith.constant 0.000000e+00 : f32
      %broadcast_in_dim3A_111 = vector.broadcast %broadcast_in_dim3A_110 : f32 to vector<16xf32>
      %swap3A_112 = arith.index_cast %scan3A_95 : i32 to index
      %swap3A_113 = arith.constant 32 : index
      %swap3A_114 = tpu.vector_load %arg11[%swap3A_112, %swap3A_113] {strides = array<i32>} : memref<128x128xf32, #tpu.memory_space<vmem>>, vector<1x16xf32>,
      %swap3A_115 = vector.shape_cast %swap3A_114 : vector<1x16xf32> to vector<16xf32>
      %swap3A_116 = vector.shape_cast %broadcast_in_dim3A_111 : vector<16xf32> to vector<1x16xf32>
      tpu.vector_store %arg11[%swap3A_112, %swap3A_113], %swap3A_116 {strides = array<i32>} : memref<128x128xf32, #tpu.memory_space<vmem>>, vector<1x16xf32>,
      %broadcast_in_dim3A_117 = arith.constant 0.000000e+00 : f32
      %broadcast_in_dim3A_118 = vector.broadcast %broadcast_in_dim3A_117 : f32 to vector<16xf32>
      %swap3A_119 = arith.index_cast %scan3A_95 : i32 to index
      %swap3A_120 = arith.constant 48 : index
      %swap3A_121 = tpu.vector_load %arg11[%swap3A_119, %swap3A_120] {strides = array<i32>} : memref<128x128xf32, #tpu.memory_space<vmem>>, vector<1x16xf32>,
      %swap3A_122 = vector.shape_cast %swap3A_121 : vector<1x16xf32> to vector<16xf32>
      %swap3A_123 = vector.shape_cast %broadcast_in_dim3A_118 : vector<16xf32> to vector<1x16xf32>
      tpu.vector_store %arg11[%swap3A_119, %swap3A_120], %swap3A_123 {strides = array<i32>} : memref<128x128xf32, #tpu.memory_space<vmem>>, vector<1x16xf32>,
      %broadcast_in_dim3A_124 = arith.constant 0.000000e+00 : f32
      %broadcast_in_dim3A_125 = vector.broadcast %broadcast_in_dim3A_124 : f32 to vector<16xf32>
      %swap3A_126 = arith.index_cast %scan3A_95 : i32 to index
      %swap3A_127 = arith.constant 64 : index
      %swap3A_128 = tpu.vector_load %arg11[%swap3A_126, %swap3A_127] {strides = array<i32>} : memref<128x128xf32, #tpu.memory_space<vmem>>, vector<1x16xf32>,
      %swap3A_129 = vector.shape_cast %swap3A_128 : vector<1x16xf32> to vector<16xf32>
      %swap3A_130 = vector.shape_cast %broadcast_in_dim3A_125 : vector<16xf32> to vector<1x16xf32>
      tpu.vector_store %arg11[%swap3A_126, %swap3A_127], %swap3A_130 {strides = array<i32>} : memref<128x128xf32, #tpu.memory_space<vmem>>, vector<1x16xf32>,
      %broadcast_in_dim3A_131 = arith.constant 0.000000e+00 : f32
      %broadcast_in_dim3A_132 = vector.broadcast %broadcast_in_dim3A_131 : f32 to vector<16xf32>
      %swap3A_133 = arith.index_cast %scan3A_95 : i32 to index
      %swap3A_134 = arith.constant 80 : index
      %swap3A_135 = tpu.vector_load %arg11[%swap3A_133, %swap3A_134] {strides = array<i32>} : memref<128x128xf32, #tpu.memory_space<vmem>>, vector<1x16xf32>,
      %swap3A_136 = vector.shape_cast %swap3A_135 : vector<1x16xf32> to vector<16xf32>
      %swap3A_137 = vector.shape_cast %broadcast_in_dim3A_132 : vector<16xf32> to vector<1x16xf32>
      tpu.vector_store %arg11[%swap3A_133, %swap3A_134], %swap3A_137 {strides = array<i32>} : memref<128x128xf32, #tpu.memory_space<vmem>>, vector<1x16xf32>,
      %broadcast_in_dim3A_138 = arith.constant 0.000000e+00 : f32
      %broadcast_in_dim3A_139 = vector.broadcast %broadcast_in_dim3A_138 : f32 to vector<16xf32>
      %swap3A_140 = arith.index_cast %scan3A_95 : i32 to index
      %swap3A_141 = arith.constant 96 : index
      %swap3A_142 = tpu.vector_load %arg11[%swap3A_140, %swap3A_141] {strides = array<i32>} : memref<128x128xf32, #tpu.memory_space<vmem>>, vector<1x16xf32>,
      %swap3A_143 = vector.shape_cast %swap3A_142 : vector<1x16xf32> to vector<16xf32>
      %swap3A_144 = vector.shape_cast %broadcast_in_dim3A_139 : vector<16xf32> to vector<1x16xf32>
      tpu.vector_store %arg11[%swap3A_140, %swap3A_141], %swap3A_144 {strides = array<i32>} : memref<128x128xf32, #tpu.memory_space<vmem>>, vector<1x16xf32>,
      %broadcast_in_dim3A_145 = arith.constant 0.000000e+00 : f32
      %broadcast_in_dim3A_146 = vector.broadcast %broadcast_in_dim3A_145 : f32 to vector<16xf32>
      %swap3A_147 = arith.index_cast %scan3A_95 : i32 to index
      %swap3A_148 = arith.constant 112 : index
      %swap3A_149 = tpu.vector_load %arg11[%swap3A_147, %swap3A_148] {strides = array<i32>} : memref<128x128xf32, #tpu.memory_space<vmem>>, vector<1x16xf32>,
      %swap3A_150 = vector.shape_cast %swap3A_149 : vector<1x16xf32> to vector<16xf32>
      %swap3A_151 = vector.shape_cast %broadcast_in_dim3A_146 : vector<16xf32> to vector<1x16xf32>
      tpu.vector_store %arg11[%swap3A_147, %swap3A_148], %swap3A_151 {strides = array<i32>} : memref<128x128xf32, #tpu.memory_space<vmem>>, vector<1x16xf32>,
    }
    %scan3A_51 = arith.constant 128 : i32
    %scan3A_52 = arith.constant 0 : i32
    %scan3A_53 = arith.constant 0 : i32
    %scan3A_54 = arith.constant 40 : i32
    %scan3A_55 = arith.addi %scan3A_53, %scan3A_54 : i32
    %scan3A_56 = arith.constant 1 : i32
    scf.for %scan3A_95 = %scan3A_53 to %scan3A_55 step %scan3A_56  : i32 {
      %broadcast_in_dim3A_96 = arith.constant 0.000000e+00 : f32
      %broadcast_in_dim3A_97 = vector.broadcast %broadcast_in_dim3A_96 : f32 to vector<16xf32>
      %mul3A_98 = arith.constant 16 : i32
      %mul3A_99 = arith.muli %scan3A_95, %mul3A_98 : i32
      %swap3A_100 = arith.index_cast %mul3A_99 : i32 to index
      %swap3A_101 = tpu.vector_load %arg13[%swap3A_100] {strides = array<i32>} : memref<640xf32, #tpu.memory_space<vmem>>, vector<16xf32>,
      %swap3A_102 = vector.shape_cast %swap3A_101 : vector<16xf32> to vector<16xf32>
      %swap3A_103 = vector.shape_cast %broadcast_in_dim3A_97 : vector<16xf32> to vector<16xf32>
      tpu.vector_store %arg13[%swap3A_100], %swap3A_103 {strides = array<i32>} : memref<640xf32, #tpu.memory_space<vmem>>, vector<16xf32>,
    }
    %scan3A_57 = arith.constant 40 : i32
    %mul3A_58 = arith.constant 640 : i32
    %mul3A_59 = arith.muli %arg1, %mul3A_58 : i32
    %add3A_60 = arith.constant 0 : i32
    %add3A_61 = arith.addi %mul3A_59, %add3A_60 : i32
    "tpu.region"() ({
      %run_scoped3A = tpu.sem_alloc : memref<!tpu.dma_semaphore, #tpu.memory_space<semaphore_mem>>
      %dma_start3A = arith.constant 0 : i32
      %dma_start3A_95 = tpu.memref_slice %arg7[%add3A_61, %dma_start3A] : memref<10240x128xf32, #tpu.memory_space<vmem_shared>> -> memref<128x128xf32, #tpu.memory_space<vmem_shared>>
      %dma_start3A_96 = arith.constant 0 : i32
      %dma_start3A_97 = tpu.memref_slice %arg7[%add3A_61, %dma_start3A_96] : memref<10240x128xf32, #tpu.memory_space<vmem_shared>> -> memref<128x128xf32, #tpu.memory_space<vmem_shared>>
      tpu.enqueue_dma source(%arg11 : memref<128x128xf32, #tpu.memory_space<vmem>>) target(%dma_start3A_97 : memref<128x128xf32, #tpu.memory_space<vmem_shared>>) target_semaphore(%run_scoped3A : memref<!tpu.dma_semaphore, #tpu.memory_space<semaphore_mem>>)
      %dma_wait3A = arith.constant 0 : i32
      %dma_wait3A_98 = tpu.memref_slice %arg7[%add3A_61, %dma_wait3A] : memref<10240x128xf32, #tpu.memory_space<vmem_shared>> -> memref<128x128xf32, #tpu.memory_space<vmem_shared>>
      %dma_wait3A_99 = arith.constant 0 : i32
      %dma_wait3A_100 = tpu.memref_slice %arg7[%add3A_61, %dma_wait3A_99] : memref<10240x128xf32, #tpu.memory_space<vmem_shared>> -> memref<128x128xf32, #tpu.memory_space<vmem_shared>>
      tpu.wait_dma2 semaphore(%run_scoped3A : memref<!tpu.dma_semaphore, #tpu.memory_space<semaphore_mem>>) src(%arg11 : memref<128x128xf32, #tpu.memory_space<vmem>>) dst(%dma_wait3A_100 : memref<128x128xf32, #tpu.memory_space<vmem_shared>>)
      tpu.yield
    }) : () -> ()
    %mul3A_62 = arith.constant 640 : i32
    %mul3A_63 = arith.muli %arg1, %mul3A_62 : i32
    %add3A_64 = arith.constant 128 : i32
    %add3A_65 = arith.addi %mul3A_63, %add3A_64 : i32
    "tpu.region"() ({
      %run_scoped3A = tpu.sem_alloc : memref<!tpu.dma_semaphore, #tpu.memory_space<semaphore_mem>>
      %dma_start3A = arith.constant 0 : i32
      %dma_start3A_95 = tpu.memref_slice %arg7[%add3A_65, %dma_start3A] : memref<10240x128xf32, #tpu.memory_space<vmem_shared>> -> memref<128x128xf32, #tpu.memory_space<vmem_shared>>
      %dma_start3A_96 = arith.constant 0 : i32
      %dma_start3A_97 = tpu.memref_slice %arg7[%add3A_65, %dma_start3A_96] : memref<10240x128xf32, #tpu.memory_space<vmem_shared>> -> memref<128x128xf32, #tpu.memory_space<vmem_shared>>
      tpu.enqueue_dma source(%arg11 : memref<128x128xf32, #tpu.memory_space<vmem>>) target(%dma_start3A_97 : memref<128x128xf32, #tpu.memory_space<vmem_shared>>) target_semaphore(%run_scoped3A : memref<!tpu.dma_semaphore, #tpu.memory_space<semaphore_mem>>)
      %dma_wait3A = arith.constant 0 : i32
      %dma_wait3A_98 = tpu.memref_slice %arg7[%add3A_65, %dma_wait3A] : memref<10240x128xf32, #tpu.memory_space<vmem_shared>> -> memref<128x128xf32, #tpu.memory_space<vmem_shared>>
      %dma_wait3A_99 = arith.constant 0 : i32
      %dma_wait3A_100 = tpu.memref_slice %arg7[%add3A_65, %dma_wait3A_99] : memref<10240x128xf32, #tpu.memory_space<vmem_shared>> -> memref<128x128xf32, #tpu.memory_space<vmem_shared>>
      tpu.wait_dma2 semaphore(%run_scoped3A : memref<!tpu.dma_semaphore, #tpu.memory_space<semaphore_mem>>) src(%arg11 : memref<128x128xf32, #tpu.memory_space<vmem>>) dst(%dma_wait3A_100 : memref<128x128xf32, #tpu.memory_space<vmem_shared>>)
      tpu.yield
    }) : () -> ()
    %mul3A_66 = arith.constant 640 : i32
    %mul3A_67 = arith.muli %arg1, %mul3A_66 : i32
    %add3A_68 = arith.constant 256 : i32
    %add3A_69 = arith.addi %mul3A_67, %add3A_68 : i32
    "tpu.region"() ({
      %run_scoped3A = tpu.sem_alloc : memref<!tpu.dma_semaphore, #tpu.memory_space<semaphore_mem>>
      %dma_start3A = arith.constant 0 : i32
      %dma_start3A_95 = tpu.memref_slice %arg7[%add3A_69, %dma_start3A] : memref<10240x128xf32, #tpu.memory_space<vmem_shared>> -> memref<128x128xf32, #tpu.memory_space<vmem_shared>>
      %dma_start3A_96 = arith.constant 0 : i32
      %dma_start3A_97 = tpu.memref_slice %arg7[%add3A_69, %dma_start3A_96] : memref<10240x128xf32, #tpu.memory_space<vmem_shared>> -> memref<128x128xf32, #tpu.memory_space<vmem_shared>>
      tpu.enqueue_dma source(%arg11 : memref<128x128xf32, #tpu.memory_space<vmem>>) target(%dma_start3A_97 : memref<128x128xf32, #tpu.memory_space<vmem_shared>>) target_semaphore(%run_scoped3A : memref<!tpu.dma_semaphore, #tpu.memory_space<semaphore_mem>>)
      %dma_wait3A = arith.constant 0 : i32
      %dma_wait3A_98 = tpu.memref_slice %arg7[%add3A_69, %dma_wait3A] : memref<10240x128xf32, #tpu.memory_space<vmem_shared>> -> memref<128x128xf32, #tpu.memory_space<vmem_shared>>
      %dma_wait3A_99 = arith.constant 0 : i32
      %dma_wait3A_100 = tpu.memref_slice %arg7[%add3A_69, %dma_wait3A_99] : memref<10240x128xf32, #tpu.memory_space<vmem_shared>> -> memref<128x128xf32, #tpu.memory_space<vmem_shared>>
      tpu.wait_dma2 semaphore(%run_scoped3A : memref<!tpu.dma_semaphore, #tpu.memory_space<semaphore_mem>>) src(%arg11 : memref<128x128xf32, #tpu.memory_space<vmem>>) dst(%dma_wait3A_100 : memref<128x128xf32, #tpu.memory_space<vmem_shared>>)
      tpu.yield
    }) : () -> ()
    %mul3A_70 = arith.constant 640 : i32
    %mul3A_71 = arith.muli %arg1, %mul3A_70 : i32
    %add3A_72 = arith.constant 384 : i32
    %add3A_73 = arith.addi %mul3A_71, %add3A_72 : i32
    "tpu.region"() ({
      %run_scoped3A = tpu.sem_alloc : memref<!tpu.dma_semaphore, #tpu.memory_space<semaphore_mem>>
      %dma_start3A = arith.constant 0 : i32
      %dma_start3A_95 = tpu.memref_slice %arg7[%add3A_73, %dma_start3A] : memref<10240x128xf32, #tpu.memory_space<vmem_shared>> -> memref<128x128xf32, #tpu.memory_space<vmem_shared>>
      %dma_start3A_96 = arith.constant 0 : i32
      %dma_start3A_97 = tpu.memref_slice %arg7[%add3A_73, %dma_start3A_96] : memref<10240x128xf32, #tpu.memory_space<vmem_shared>> -> memref<128x128xf32, #tpu.memory_space<vmem_shared>>
      tpu.enqueue_dma source(%arg11 : memref<128x128xf32, #tpu.memory_space<vmem>>) target(%dma_start3A_97 : memref<128x128xf32, #tpu.memory_space<vmem_shared>>) target_semaphore(%run_scoped3A : memref<!tpu.dma_semaphore, #tpu.memory_space<semaphore_mem>>)
      %dma_wait3A = arith.constant 0 : i32
      %dma_wait3A_98 = tpu.memref_slice %arg7[%add3A_73, %dma_wait3A] : memref<10240x128xf32, #tpu.memory_space<vmem_shared>> -> memref<128x128xf32, #tpu.memory_space<vmem_shared>>
      %dma_wait3A_99 = arith.constant 0 : i32
      %dma_wait3A_100 = tpu.memref_slice %arg7[%add3A_73, %dma_wait3A_99] : memref<10240x128xf32, #tpu.memory_space<vmem_shared>> -> memref<128x128xf32, #tpu.memory_space<vmem_shared>>
      tpu.wait_dma2 semaphore(%run_scoped3A : memref<!tpu.dma_semaphore, #tpu.memory_space<semaphore_mem>>) src(%arg11 : memref<128x128xf32, #tpu.memory_space<vmem>>) dst(%dma_wait3A_100 : memref<128x128xf32, #tpu.memory_space<vmem_shared>>)
      tpu.yield
    }) : () -> ()
    %mul3A_74 = arith.constant 640 : i32
    %mul3A_75 = arith.muli %arg1, %mul3A_74 : i32
    %add3A_76 = arith.constant 512 : i32
    %add3A_77 = arith.addi %mul3A_75, %add3A_76 : i32
    "tpu.region"() ({
      %run_scoped3A = tpu.sem_alloc : memref<!tpu.dma_semaphore, #tpu.memory_space<semaphore_mem>>
      %dma_start3A = arith.constant 0 : i32
      %dma_start3A_95 = tpu.memref_slice %arg7[%add3A_77, %dma_start3A] : memref<10240x128xf32, #tpu.memory_space<vmem_shared>> -> memref<128x128xf32, #tpu.memory_space<vmem_shared>>
      %dma_start3A_96 = arith.constant 0 : i32
      %dma_start3A_97 = tpu.memref_slice %arg7[%add3A_77, %dma_start3A_96] : memref<10240x128xf32, #tpu.memory_space<vmem_shared>> -> memref<128x128xf32, #tpu.memory_space<vmem_shared>>
      tpu.enqueue_dma source(%arg11 : memref<128x128xf32, #tpu.memory_space<vmem>>) target(%dma_start3A_97 : memref<128x128xf32, #tpu.memory_space<vmem_shared>>) target_semaphore(%run_scoped3A : memref<!tpu.dma_semaphore, #tpu.memory_space<semaphore_mem>>)
      %dma_wait3A = arith.constant 0 : i32
      %dma_wait3A_98 = tpu.memref_slice %arg7[%add3A_77, %dma_wait3A] : memref<10240x128xf32, #tpu.memory_space<vmem_shared>> -> memref<128x128xf32, #tpu.memory_space<vmem_shared>>
      %dma_wait3A_99 = arith.constant 0 : i32
      %dma_wait3A_100 = tpu.memref_slice %arg7[%add3A_77, %dma_wait3A_99] : memref<10240x128xf32, #tpu.memory_space<vmem_shared>> -> memref<128x128xf32, #tpu.memory_space<vmem_shared>>
      tpu.wait_dma2 semaphore(%run_scoped3A : memref<!tpu.dma_semaphore, #tpu.memory_space<semaphore_mem>>) src(%arg11 : memref<128x128xf32, #tpu.memory_space<vmem>>) dst(%dma_wait3A_100 : memref<128x128xf32, #tpu.memory_space<vmem_shared>>)
      tpu.yield
    }) : () -> ()
    %mul3A_78 = arith.constant 640 : i32
    %mul3A_79 = arith.muli %arg1, %mul3A_78 : i32
    "tpu.region"() ({
      %run_scoped3A = tpu.sem_alloc : memref<!tpu.dma_semaphore, #tpu.memory_space<semaphore_mem>>
      %dma_start3A = tpu.memref_slice %arg8[%mul3A_79] : memref<10240xf32, #tpu.memory_space<vmem_shared>> -> memref<640xf32, #tpu.memory_space<vmem_shared>>
      %dma_start3A_95 = tpu.memref_slice %arg8[%mul3A_79] : memref<10240xf32, #tpu.memory_space<vmem_shared>> -> memref<640xf32, #tpu.memory_space<vmem_shared>>
      tpu.enqueue_dma source(%arg13 : memref<640xf32, #tpu.memory_space<vmem>>) target(%dma_start3A_95 : memref<640xf32, #tpu.memory_space<vmem_shared>>) target_semaphore(%run_scoped3A : memref<!tpu.dma_semaphore, #tpu.memory_space<semaphore_mem>>)
      %dma_wait3A = tpu.memref_slice %arg8[%mul3A_79] : memref<10240xf32, #tpu.memory_space<vmem_shared>> -> memref<640xf32, #tpu.memory_space<vmem_shared>>
      %dma_wait3A_96 = tpu.memref_slice %arg8[%mul3A_79] : memref<10240xf32, #tpu.memory_space<vmem_shared>> -> memref<640xf32, #tpu.memory_space<vmem_shared>>
      tpu.wait_dma2 semaphore(%run_scoped3A : memref<!tpu.dma_semaphore, #tpu.memory_space<semaphore_mem>>) src(%arg13 : memref<640xf32, #tpu.memory_space<vmem>>) dst(%dma_wait3A_96 : memref<640xf32, #tpu.memory_space<vmem_shared>>)
      tpu.yield
    }) : () -> ()
    %barrier3A = arith.constant 0 : index
    tpu.barrier barrier_id(%barrier3A)
    "tpu.region"() ({
      %run_scoped3A = tpu.sem_alloc : memref<!tpu.dma_semaphore, #tpu.memory_space<semaphore_mem>>
      %dma_start3A = arith.constant 0 : i32
      %dma_start3A_95 = arith.constant 0 : i32
      %dma_start3A_96 = tpu.memref_slice %arg3[%add3A, %dma_start3A, %dma_start3A_95] : memref<32x79x128xi32, #tpu.memory_space<hbm>> -> memref<1x79x128xi32, #tpu.memory_space<hbm>>
      %dma_start3A_97 = tpu.memref_squeeze %dma_start3A_96 : memref<1x79x128xi32, #tpu.memory_space<hbm>> -> memref<79x128xi32, #tpu.memory_space<hbm>>
      %dma_start3A_98 = arith.constant 0 : i32
      %dma_start3A_99 = arith.constant 0 : i32
      %dma_start3A_100 = tpu.memref_slice %arg3[%add3A, %dma_start3A_98, %dma_start3A_99] : memref<32x79x128xi32, #tpu.memory_space<hbm>> -> memref<1x79x128xi32, #tpu.memory_space<hbm>>
      %dma_start3A_101 = tpu.memref_squeeze %dma_start3A_100 : memref<1x79x128xi32, #tpu.memory_space<hbm>> -> memref<79x128xi32, #tpu.memory_space<hbm>>
      tpu.enqueue_dma source(%dma_start3A_101 : memref<79x128xi32, #tpu.memory_space<hbm>>) target(%arg9 : memref<79x128xi32, #tpu.memory_space<vmem>>) target_semaphore(%run_scoped3A : memref<!tpu.dma_semaphore, #tpu.memory_space<semaphore_mem>>)
      %dma_wait3A = arith.constant 0 : i32
      %dma_wait3A_102 = arith.constant 0 : i32
      %dma_wait3A_103 = tpu.memref_slice %arg3[%add3A, %dma_wait3A, %dma_wait3A_102] : memref<32x79x128xi32, #tpu.memory_space<hbm>> -> memref<1x79x128xi32, #tpu.memory_space<hbm>>
      %dma_wait3A_104 = tpu.memref_squeeze %dma_wait3A_103 : memref<1x79x128xi32, #tpu.memory_space<hbm>> -> memref<79x128xi32, #tpu.memory_space<hbm>>
      %dma_wait3A_105 = arith.constant 0 : i32
      %dma_wait3A_106 = arith.constant 0 : i32
      %dma_wait3A_107 = tpu.memref_slice %arg3[%add3A, %dma_wait3A_105, %dma_wait3A_106] : memref<32x79x128xi32, #tpu.memory_space<hbm>> -> memref<1x79x128xi32, #tpu.memory_space<hbm>>
      %dma_wait3A_108 = tpu.memref_squeeze %dma_wait3A_107 : memref<1x79x128xi32, #tpu.memory_space<hbm>> -> memref<79x128xi32, #tpu.memory_space<hbm>>
      tpu.wait_dma2 semaphore(%run_scoped3A : memref<!tpu.dma_semaphore, #tpu.memory_space<semaphore_mem>>) src(%dma_wait3A_108 : memref<79x128xi32, #tpu.memory_space<hbm>>) dst(%arg9 : memref<79x128xi32, #tpu.memory_space<vmem>>)
      tpu.yield
    }) : () -> ()
    "tpu.region"() ({
      %run_scoped3A = tpu.sem_alloc : memref<!tpu.dma_semaphore, #tpu.memory_space<semaphore_mem>>
      %dma_start3A = arith.constant 0 : i32
      %dma_start3A_95 = arith.constant 0 : i32
      %dma_start3A_96 = tpu.memref_slice %arg4[%add3A, %dma_start3A, %dma_start3A_95] : memref<32x79x128xi32, #tpu.memory_space<hbm>> -> memref<1x79x128xi32, #tpu.memory_space<hbm>>
      %dma_start3A_97 = tpu.memref_squeeze %dma_start3A_96 : memref<1x79x128xi32, #tpu.memory_space<hbm>> -> memref<79x128xi32, #tpu.memory_space<hbm>>
      %dma_start3A_98 = arith.constant 0 : i32
      %dma_start3A_99 = arith.constant 0 : i32
      %dma_start3A_100 = tpu.memref_slice %arg4[%add3A, %dma_start3A_98, %dma_start3A_99] : memref<32x79x128xi32, #tpu.memory_space<hbm>> -> memref<1x79x128xi32, #tpu.memory_space<hbm>>
      %dma_start3A_101 = tpu.memref_squeeze %dma_start3A_100 : memref<1x79x128xi32, #tpu.memory_space<hbm>> -> memref<79x128xi32, #tpu.memory_space<hbm>>
      tpu.enqueue_dma source(%dma_start3A_101 : memref<79x128xi32, #tpu.memory_space<hbm>>) target(%arg10 : memref<79x128xi32, #tpu.memory_space<vmem>>) target_semaphore(%run_scoped3A : memref<!tpu.dma_semaphore, #tpu.memory_space<semaphore_mem>>)
      %dma_wait3A = arith.constant 0 : i32
      %dma_wait3A_102 = arith.constant 0 : i32
      %dma_wait3A_103 = tpu.memref_slice %arg4[%add3A, %dma_wait3A, %dma_wait3A_102] : memref<32x79x128xi32, #tpu.memory_space<hbm>> -> memref<1x79x128xi32, #tpu.memory_space<hbm>>
      %dma_wait3A_104 = tpu.memref_squeeze %dma_wait3A_103 : memref<1x79x128xi32, #tpu.memory_space<hbm>> -> memref<79x128xi32, #tpu.memory_space<hbm>>
      %dma_wait3A_105 = arith.constant 0 : i32
      %dma_wait3A_106 = arith.constant 0 : i32
      %dma_wait3A_107 = tpu.memref_slice %arg4[%add3A, %dma_wait3A_105, %dma_wait3A_106] : memref<32x79x128xi32, #tpu.memory_space<hbm>> -> memref<1x79x128xi32, #tpu.memory_space<hbm>>
      %dma_wait3A_108 = tpu.memref_squeeze %dma_wait3A_107 : memref<1x79x128xi32, #tpu.memory_space<hbm>> -> memref<79x128xi32, #tpu.memory_space<hbm>>
      tpu.wait_dma2 semaphore(%run_scoped3A : memref<!tpu.dma_semaphore, #tpu.memory_space<semaphore_mem>>) src(%dma_wait3A_108 : memref<79x128xi32, #tpu.memory_space<hbm>>) dst(%arg10 : memref<79x128xi32, #tpu.memory_space<vmem>>)
      tpu.yield
    }) : () -> ()
    %scan3A_80 = arith.constant 0 : i32
    %scan3A_81 = arith.constant 0 : i32
    %scan3A_82 = arith.constant 79 : i32
    %scan3A_83 = arith.addi %scan3A_81, %scan3A_82 : i32
    %scan3A_84 = arith.constant 1 : i32
    scf.for %scan3A_95 = %scan3A_81 to %scan3A_83 step %scan3A_84  : i32 {
      %dma_start3A = arith.constant 0 : i32
      %dma_start3A_96 = tpu.memref_slice %arg9[%scan3A_95, %dma_start3A] : memref<79x128xi32, #tpu.memory_space<vmem>> -> memref<1x128xi32, #tpu.memory_space<vmem>>
      %dma_start3A_97 = tpu.memref_squeeze %dma_start3A_96 : memref<1x128xi32, #tpu.memory_space<vmem>> -> memref<128xi32, #tpu.memory_space<vmem>>
      %dma_start3A_98 = arith.constant 0 : i32
      %dma_start3A_99 = arith.constant 0 : i32
      %dma_start3A_100 = tpu.memref_slice %arg2[%dma_start3A_98, %dma_start3A_99] : memref<10000x128xf32, #tpu.memory_space<hbm>> -> memref<10000x128xf32, #tpu.memory_space<hbm>>
      tpu.enqueue_indirect_dma source(%dma_start3A_100 : memref<10000x128xf32, #tpu.memory_space<hbm>>) target(%arg11 : memref<128x128xf32, #tpu.memory_space<vmem>>) offsets(%dma_start3A_97 : memref<128xi32, #tpu.memory_space<vmem>>) semaphore(%arg14 : memref<!tpu.dma_semaphore, #tpu.memory_space<semaphore_mem>>)
      %dma_wait3A = arith.constant 0 : i32
      %dma_wait3A_101 = tpu.memref_slice %arg9[%scan3A_95, %dma_wait3A] : memref<79x128xi32, #tpu.memory_space<vmem>> -> memref<1x128xi32, #tpu.memory_space<vmem>>
      %dma_wait3A_102 = tpu.memref_squeeze %dma_wait3A_101 : memref<1x128xi32, #tpu.memory_space<vmem>> -> memref<128xi32, #tpu.memory_space<vmem>>
      %dma_wait3A_103 = arith.constant 0 : i32
      %dma_wait3A_104 = arith.constant 0 : i32
      %dma_wait3A_105 = tpu.memref_slice %arg2[%dma_wait3A_103, %dma_wait3A_104] : memref<10000x128xf32, #tpu.memory_space<hbm>> -> memref<10000x128xf32, #tpu.memory_space<hbm>>
      tpu.wait_indirect_dma semaphore(%arg14 : memref<!tpu.dma_semaphore, #tpu.memory_space<semaphore_mem>>) src(%dma_wait3A_105 : memref<10000x128xf32, #tpu.memory_space<hbm>>) dst(%arg11 : memref<128x128xf32, #tpu.memory_space<vmem>>)
      "tpu.region"() ({
        %run_scoped3A = tpu.sem_alloc : memref<!tpu.dma_semaphore, #tpu.memory_space<semaphore_mem>>
        %dma_start3A_106 = arith.constant 0 : i32
        %dma_start3A_107 = tpu.memref_slice %arg10[%scan3A_95, %dma_start3A_106] : memref<79x128xi32, #tpu.memory_space<vmem>> -> memref<1x128xi32, #tpu.memory_space<vmem>>
        %dma_start3A_108 = tpu.memref_squeeze %dma_start3A_107 : memref<1x128xi32, #tpu.memory_space<vmem>> -> memref<128xi32, #tpu.memory_space<vmem>>
        %dma_start3A_109 = arith.constant 0 : i32
        %dma_start3A_110 = arith.constant 0 : i32
        %dma_start3A_111 = tpu.memref_slice %arg7[%dma_start3A_109, %dma_start3A_110] : memref<10240x128xf32, #tpu.memory_space<vmem_shared>> -> memref<10240x128xf32, #tpu.memory_space<vmem_shared>>
        tpu.enqueue_indirect_dma source(%arg11 : memref<128x128xf32, #tpu.memory_space<vmem>>) target(%dma_start3A_111 : memref<10240x128xf32, #tpu.memory_space<vmem_shared>>) offsets(%dma_start3A_108 : memref<128xi32, #tpu.memory_space<vmem>>) semaphore(%run_scoped3A : memref<!tpu.dma_semaphore, #tpu.memory_space<semaphore_mem>>) {add = true}
        %dma_wait3A_112 = arith.constant 0 : i32
        %dma_wait3A_113 = tpu.memref_slice %arg10[%scan3A_95, %dma_wait3A_112] : memref<79x128xi32, #tpu.memory_space<vmem>> -> memref<1x128xi32, #tpu.memory_space<vmem>>
        %dma_wait3A_114 = tpu.memref_squeeze %dma_wait3A_113 : memref<1x128xi32, #tpu.memory_space<vmem>> -> memref<128xi32, #tpu.memory_space<vmem>>
        %dma_wait3A_115 = arith.constant 0 : i32
        %dma_wait3A_116 = arith.constant 0 : i32
        %dma_wait3A_117 = tpu.memref_slice %arg7[%dma_wait3A_115, %dma_wait3A_116] : memref<10240x128xf32, #tpu.memory_space<vmem_shared>> -> memref<10240x128xf32, #tpu.memory_space<vmem_shared>>
        tpu.wait_indirect_dma semaphore(%run_scoped3A : memref<!tpu.dma_semaphore, #tpu.memory_space<semaphore_mem>>) src(%arg11 : memref<128x128xf32, #tpu.memory_space<vmem>>) dst(%dma_wait3A_117 : memref<10240x128xf32, #tpu.memory_space<vmem_shared>>)
        tpu.yield
      }) : () -> ()
      "tpu.region"() ({
        %run_scoped3A = tpu.sem_alloc : memref<!tpu.dma_semaphore, #tpu.memory_space<semaphore_mem>>
        %dma_start3A_106 = arith.constant 0 : i32
        %dma_start3A_107 = tpu.memref_slice %arg10[%scan3A_95, %dma_start3A_106] : memref<79x128xi32, #tpu.memory_space<vmem>> -> memref<1x128xi32, #tpu.memory_space<vmem>>
        %dma_start3A_108 = tpu.memref_squeeze %dma_start3A_107 : memref<1x128xi32, #tpu.memory_space<vmem>> -> memref<128xi32, #tpu.memory_space<vmem>>
        %dma_start3A_109 = arith.constant 0 : i32
        %dma_start3A_110 = tpu.memref_slice %arg8[%dma_start3A_109] : memref<10240xf32, #tpu.memory_space<vmem_shared>> -> memref<10240xf32, #tpu.memory_space<vmem_shared>>
        tpu.enqueue_indirect_dma source(%arg12 : memref<128xf32, #tpu.memory_space<vmem>>) target(%dma_start3A_110 : memref<10240xf32, #tpu.memory_space<vmem_shared>>) offsets(%dma_start3A_108 : memref<128xi32, #tpu.memory_space<vmem>>) semaphore(%run_scoped3A : memref<!tpu.dma_semaphore, #tpu.memory_space<semaphore_mem>>) {add = true}
        %dma_wait3A_111 = arith.constant 0 : i32
        %dma_wait3A_112 = tpu.memref_slice %arg10[%scan3A_95, %dma_wait3A_111] : memref<79x128xi32, #tpu.memory_space<vmem>> -> memref<1x128xi32, #tpu.memory_space<vmem>>
        %dma_wait3A_113 = tpu.memref_squeeze %dma_wait3A_112 : memref<1x128xi32, #tpu.memory_space<vmem>> -> memref<128xi32, #tpu.memory_space<vmem>>
        %dma_wait3A_114 = arith.constant 0 : i32
        %dma_wait3A_115 = tpu.memref_slice %arg8[%dma_wait3A_114] : memref<10240xf32, #tpu.memory_space<vmem_shared>> -> memref<10240xf32, #tpu.memory_space<vmem_shared>>
        tpu.wait_indirect_dma semaphore(%run_scoped3A : memref<!tpu.dma_semaphore, #tpu.memory_space<semaphore_mem>>) src(%arg12 : memref<128xf32, #tpu.memory_space<vmem>>) dst(%dma_wait3A_115 : memref<10240xf32, #tpu.memory_space<vmem_shared>>)
        tpu.yield
      }) : () -> ()
    }
    %scan3A_85 = arith.constant 79 : i32
    %barrier3A_86 = arith.constant 0 : index
    tpu.barrier barrier_id(%barrier3A_86)
    %mul3A_87 = arith.constant 640 : i32
    %mul3A_88 = arith.muli %arg1, %mul3A_87 : i32
    %mul3A_89 = arith.constant 640 : i32
    %mul3A_90 = arith.muli %arg1, %mul3A_89 : i32
    "tpu.region"() ({
      %run_scoped3A = tpu.sem_alloc : memref<!tpu.dma_semaphore, #tpu.memory_space<semaphore_mem>>
      %dma_start3A = arith.constant 0 : i32
      %dma_start3A_95 = tpu.memref_slice %arg5[%arg0, %mul3A_90, %dma_start3A] : memref<2x10240x128xf32, #tpu.memory_space<hbm>> -> memref<1x640x128xf32, #tpu.memory_space<hbm>>
      %dma_start3A_96 = tpu.memref_squeeze %dma_start3A_95 : memref<1x640x128xf32, #tpu.memory_space<hbm>> -> memref<640x128xf32, #tpu.memory_space<hbm>>
      %dma_start3A_97 = arith.constant 0 : i32
      %dma_start3A_98 = tpu.memref_slice %arg7[%mul3A_88, %dma_start3A_97] : memref<10240x128xf32, #tpu.memory_space<vmem_shared>> -> memref<640x128xf32, #tpu.memory_space<vmem_shared>>
      tpu.enqueue_dma source(%dma_start3A_98 : memref<640x128xf32, #tpu.memory_space<vmem_shared>>) target(%dma_start3A_96 : memref<640x128xf32, #tpu.memory_space<hbm>>) target_semaphore(%run_scoped3A : memref<!tpu.dma_semaphore, #tpu.memory_space<semaphore_mem>>)
      %dma_wait3A = arith.constant 0 : i32
      %dma_wait3A_99 = tpu.memref_slice %arg5[%arg0, %mul3A_90, %dma_wait3A] : memref<2x10240x128xf32, #tpu.memory_space<hbm>> -> memref<1x640x128xf32, #tpu.memory_space<hbm>>
      %dma_wait3A_100 = tpu.memref_squeeze %dma_wait3A_99 : memref<1x640x128xf32, #tpu.memory_space<hbm>> -> memref<640x128xf32, #tpu.memory_space<hbm>>
      %dma_wait3A_101 = arith.constant 0 : i32
      %dma_wait3A_102 = tpu.memref_slice %arg7[%mul3A_88, %dma_wait3A_101] : memref<10240x128xf32, #tpu.memory_space<vmem_shared>> -> memref<640x128xf32, #tpu.memory_space<vmem_shared>>
      tpu.wait_dma2 semaphore(%run_scoped3A : memref<!tpu.dma_semaphore, #tpu.memory_space<semaphore_mem>>) src(%dma_wait3A_102 : memref<640x128xf32, #tpu.memory_space<vmem_shared>>) dst(%dma_wait3A_100 : memref<640x128xf32, #tpu.memory_space<hbm>>)
      tpu.yield
    }) : () -> ()
    %mul3A_91 = arith.constant 640 : i32
    %mul3A_92 = arith.muli %arg1, %mul3A_91 : i32
    %mul3A_93 = arith.constant 640 : i32
    %mul3A_94 = arith.muli %arg1, %mul3A_93 : i32
    "tpu.region"() ({
      %run_scoped3A = tpu.sem_alloc : memref<!tpu.dma_semaphore, #tpu.memory_space<semaphore_mem>>
      %dma_start3A = tpu.memref_slice %arg6[%arg0, %mul3A_94] : memref<2x10240xf32, #tpu.memory_space<hbm>> -> memref<1x640xf32, #tpu.memory_space<hbm>>
      %dma_start3A_95 = tpu.memref_squeeze %dma_start3A : memref<1x640xf32, #tpu.memory_space<hbm>> -> memref<640xf32, #tpu.memory_space<hbm>>
      %dma_start3A_96 = tpu.memref_slice %arg8[%mul3A_92] : memref<10240xf32, #tpu.memory_space<vmem_shared>> -> memref<640xf32, #tpu.memory_space<vmem_shared>>
      tpu.enqueue_dma source(%dma_start3A_96 : memref<640xf32, #tpu.memory_space<vmem_shared>>) target(%dma_start3A_95 : memref<640xf32, #tpu.memory_space<hbm>>) target_semaphore(%run_scoped3A : memref<!tpu.dma_semaphore, #tpu.memory_space<semaphore_mem>>)
      %dma_wait3A = tpu.memref_slice %arg6[%arg0, %mul3A_94] : memref<2x10240xf32, #tpu.memory_space<hbm>> -> memref<1x640xf32, #tpu.memory_space<hbm>>
      %dma_wait3A_97 = tpu.memref_squeeze %dma_wait3A : memref<1x640xf32, #tpu.memory_space<hbm>> -> memref<640xf32, #tpu.memory_space<hbm>>
      %dma_wait3A_98 = tpu.memref_slice %arg8[%mul3A_92] : memref<10240xf32, #tpu.memory_space<vmem_shared>> -> memref<640xf32, #tpu.memory_space<vmem_shared>>
      tpu.wait_dma2 semaphore(%run_scoped3A : memref<!tpu.dma_semaphore, #tpu.memory_space<semaphore_mem>>) src(%dma_wait3A_98 : memref<640xf32, #tpu.memory_space<vmem_shared>>) dst(%dma_wait3A_97 : memref<640xf32, #tpu.memory_space<hbm>>)
      tpu.yield
    }) : () -> ()
    return
  }
}

module attributes {stable_mosaic.version = 14 : i64} {
  func.func @_tc_body(%arg0: i32, %arg1: memref<1024x128xf32, #tpu.memory_space<vmem>>, %arg2: memref<2x1024x128xf32, #tpu.memory_space<vmem>>, %arg3: memref<2x1024x128xf32, #tpu.memory_space<vmem>>, %arg4: memref<256x128xf32, #tpu.memory_space<vmem>>, %arg5: memref<1x128xf32, #tpu.memory_space<vmem>>, %arg6: memref<1024x128xf32, #tpu.memory_space<vmem>>) attributes {dimension_semantics = [#tpu.dimension_semantics<arbitrary>], iteration_bounds = array<i64: 10>, scalar_prefetch = 0 : i64, scratch_operands = 0 : i64, tpu.core_type = #tpu.core_type<tc>, window_params = [{transform_indices = @transform_0, window_bounds = array<i64: 1024, 128>}, {transform_indices = @transform_1, window_bounds = array<i64: 2, 1024, 128>}, {transform_indices = @transform_2, window_bounds = array<i64: 2, 1024, 128>}, {pipeline_mode = #tpu.pipeline_mode<synchronous>, transform_indices = @transform_3, window_bounds = array<i64: 256, 128>}, {pipeline_mode = #tpu.pipeline_mode<synchronous>, transform_indices = @transform_4, window_bounds = array<i64: 1, 128>}, {transform_indices = @transform_5, window_bounds = array<i64: 1024, 128>}]} {
    %get3A = arith.constant 0 : index
    %get3A_0 = arith.constant 0 : index
    %get3A_1 = arith.constant 0 : index
    %get3A_2 = vector.load %arg2[%get3A, %get3A_0, %get3A_1] : memref<2x1024x128xf32, #tpu.memory_space<vmem>>, vector<1x1024x128xf32>
    %get3A_3 = vector.shape_cast %get3A_2 : vector<1x1024x128xf32> to vector<1024x128xf32>
    %get3A_4 = arith.constant 1 : index
    %get3A_5 = arith.constant 0 : index
    %get3A_6 = arith.constant 0 : index
    %get3A_7 = vector.load %arg2[%get3A_4, %get3A_5, %get3A_6] : memref<2x1024x128xf32, #tpu.memory_space<vmem>>, vector<1x1024x128xf32>
    %get3A_8 = vector.shape_cast %get3A_7 : vector<1x1024x128xf32> to vector<1024x128xf32>
    %add3A = arith.addf %get3A_3, %get3A_8 : vector<1024x128xf32>
    %get3A_9 = arith.constant 0 : index
    %get3A_10 = arith.constant 0 : index
    %get3A_11 = arith.constant 0 : index
    %get3A_12 = vector.load %arg3[%get3A_9, %get3A_10, %get3A_11] : memref<2x1024x128xf32, #tpu.memory_space<vmem>>, vector<1x1024x128xf32>
    %get3A_13 = vector.shape_cast %get3A_12 : vector<1x1024x128xf32> to vector<1024x128xf32>
    %get3A_14 = arith.constant 1 : index
    %get3A_15 = arith.constant 0 : index
    %get3A_16 = arith.constant 0 : index
    %get3A_17 = vector.load %arg3[%get3A_14, %get3A_15, %get3A_16] : memref<2x1024x128xf32, #tpu.memory_space<vmem>>, vector<1x1024x128xf32>
    %get3A_18 = vector.shape_cast %get3A_17 : vector<1x1024x128xf32> to vector<1024x128xf32>
    %add3A_19 = arith.addf %get3A_13, %get3A_18 : vector<1024x128xf32>
    %max3A = arith.constant 1.000000e+00 : f32
    %max3A_20 = vector.broadcast %max3A : f32 to vector<1024x128xf32>
    %max3A_21 = arith.maximumf %add3A_19, %max3A_20 : vector<1024x128xf32>
    %div3A = arith.constant 1.000000e+00 : f32
    %div3A_22 = vector.broadcast %div3A : f32 to vector<1024x128xf32>
    %div3A_23 = arith.divf %div3A_22, %max3A_21 : vector<1024x128xf32>
    %mul3A = arith.mulf %add3A, %div3A_23 : vector<1024x128xf32>
    %get3A_24 = arith.constant 0 : index
    %get3A_25 = arith.constant 0 : index
    %get3A_26 = vector.load %arg1[%get3A_24, %get3A_25] : memref<1024x128xf32, #tpu.memory_space<vmem>>, vector<1024x128xf32>
    %get3A_27 = arith.constant 0 : index
    %get3A_28 = arith.constant 0 : index
    %get3A_29 = vector.load %arg4[%get3A_27, %get3A_28] : memref<256x128xf32, #tpu.memory_space<vmem>>, vector<128x128xf32>
    %dot_general3A = arith.constant dense<0.000000e+00> : vector<1024x128xf32>
    %dot_general3A_30 = tpu.matmul %get3A_26, %get3A_29, %dot_general3A {dimension_numbers = #tpu.dot_dimension_numbers<[1], [0], [0], [1], [0, 0, 1, 1], [], []>, transpose_lhs_hint = false} : vector<1024x128xf32>, vector<128x128xf32>, vector<1024x128xf32> -> vector<1024x128xf32>
    %get3A_31 = arith.constant 128 : index
    %get3A_32 = arith.constant 0 : index
    %get3A_33 = vector.load %arg4[%get3A_31, %get3A_32] : memref<256x128xf32, #tpu.memory_space<vmem>>, vector<128x128xf32>
    %dot_general3A_34 = arith.constant dense<0.000000e+00> : vector<1024x128xf32>
    %dot_general3A_35 = tpu.matmul %mul3A, %get3A_33, %dot_general3A_34 {dimension_numbers = #tpu.dot_dimension_numbers<[1], [0], [0], [1], [0, 0, 1, 1], [], []>, transpose_lhs_hint = false} : vector<1024x128xf32>, vector<128x128xf32>, vector<1024x128xf32> -> vector<1024x128xf32>
    %add3A_36 = arith.addf %dot_general3A_30, %dot_general3A_35 : vector<1024x128xf32>
    %get3A_37 = arith.constant 0 : index
    %get3A_38 = arith.constant 0 : index
    %get3A_39 = vector.load %arg5[%get3A_37, %get3A_38] : memref<1x128xf32, #tpu.memory_space<vmem>>, vector<1x128xf32>
    %add3A_40 = vector.broadcast %get3A_39 : vector<1x128xf32> to vector<1024x128xf32>
    %add3A_41 = arith.addf %add3A_36, %add3A_40 : vector<1024x128xf32>
    %swap3A = arith.constant 0 : index
    %swap3A_42 = arith.constant 0 : index
    %swap3A_43 = vector.load %arg6[%swap3A, %swap3A_42] : memref<1024x128xf32, #tpu.memory_space<vmem>>, vector<1024x128xf32>
    tpu.vector_store %arg6[%swap3A, %swap3A_42], %add3A_41 {strides = array<i32>} : memref<1024x128xf32, #tpu.memory_space<vmem>>, vector<1024x128xf32>,
    return
  }
  func.func @transform_0(%arg0: i32) -> (i32, i32) {
    %c0_i32 = arith.constant 0 : i32
    %c0_i32_0 = arith.constant 0 : i32
    return %arg0, %c0_i32 : i32, i32
  }
  func.func @transform_1(%arg0: i32) -> (i32, i32, i32) {
    %c0_i32 = arith.constant 0 : i32
    %c0_i32_0 = arith.constant 0 : i32
    %c0_i32_1 = arith.constant 0 : i32
    return %c0_i32, %arg0, %c0_i32_0 : i32, i32, i32
  }
  func.func @transform_2(%arg0: i32) -> (i32, i32, i32) {
    %c0_i32 = arith.constant 0 : i32
    %c0_i32_0 = arith.constant 0 : i32
    %c0_i32_1 = arith.constant 0 : i32
    return %c0_i32, %arg0, %c0_i32_0 : i32, i32, i32
  }
  func.func @transform_3(%arg0: i32) -> (i32, i32) {
    %c0_i32 = arith.constant 0 : i32
    %c0_i32_0 = arith.constant 0 : i32
    %c0_i32_1 = arith.constant 0 : i32
    return %c0_i32, %c0_i32_0 : i32, i32
  }
  func.func @transform_4(%arg0: i32) -> (i32, i32) {
    %c0_i32 = arith.constant 0 : i32
    %c0_i32_0 = arith.constant 0 : i32
    %c0_i32_1 = arith.constant 0 : i32
    return %c0_i32, %c0_i32_0 : i32, i32
  }
  func.func @transform_5(%arg0: i32) -> (i32, i32) {
    %c0_i32 = arith.constant 0 : i32
    %c0_i32_0 = arith.constant 0 : i32
    return %arg0, %c0_i32 : i32, i32
  }
}

</mosaic_0001>

<sc_bundles>
// kernel: kernel.4.cloned.1.call-start
scs
__scs_entry_jumppad:
0x0: {  	(pc) =	sbr.rel $0x88, $3  }
0x1: {  	(tag) =	ssettag $0x0;
	lr =	simm.s32 $0x1  }
0x2: {  	[smem:$0x3F9D] =	sst lr;
	_ =	strace $0xD0000000  }
0x3: {  	_ = 	snop  }
0x4: {  	_ = 	snop  }
0x5: {  	_ = 	snop  }
0x6: {  	_ = 	snop  }
0x7: {  	_ = 	snop  }
__scs_overlays_trampoline_lowered:
0x8: {  	[smem:$0x3FAC] =	sst s0  }
0x9: {  	[smem:$0x3FAD] =	sst s1  }
0xa: {  	[smem:$0x3FAE] =	sst s2  }
0xb: {  	[smem:$0x3FAF] =	sst s3  }
0xc: {  	[smem:$0x3FB0] =	sst s4  }
0xd: {  	[smem:$0x3FB1] =	sst s5  }
0xe: {  	[smem:$0x3FB2] =	sst s6  }
0xf: {  	[smem:$0x3FB3] =	sst s7  }
0x10: {  	[smem:$0x3FB4] =	sst s8  }
0x11: {  	[smem:$0x3FB5] =	sst s9;
	s0 =	simm.s32 @!p0 $0x0  }
0x12: {  	s1 =	sld [smem:$0x3F9B];
	s0 =	simm.s32 @p0 $0x1  }
0x13: {  	[smem:$0x3FB6] =	sst s0;
	s0 =	simm.s32 @!p1 $0x0  }
0x14: {  	s2 =	sld [smem:$0x3F9A];
	s0 =	simm.s32 @p1 $0x1  }
0x15: {  	[smem:$0x3FB7] =	sst s0;
	s0 =	simm.s32 @!p2 $0x0  }
0x16: {  	s3 =	sld [smem:$0x3FDB];
	s0 =	simm.s32 @p2 $0x1  }
0x17: {  	s4 =	simm.s32 $0x1BF5;
	[smem:$0x3FB9] =	sst s0  }
0x18: {  	s0 =	sld [smem:$0x3F9C];
	_ =	swait.ge [sflag:s4], $0x0  }
0x19: {  	s7 =	sld [smem:$0x3F9D]  }
0x1a: {  	s8 =	sadd.s32 $0xFFFFE003, lr  }
0x1b: {  	s9 =	sadd.s32 $0xFFFFFEF7, lr;
	s5 =	simm.s32 $0xFFFFFFFF;
	p2 =	slt.u32 s8, $0xFFFFF086  }
0x1c: {  	p1 =	slt.u32 s9, $0xF7A;
	s5 =	simm.s32 @!p2 $0x0  }
0x1d: {  	s5 =	simm.s32 @p1 $0x1;
	p0 =	seq.s32 s7, s2  }
0x1e: {  	s7 =	smul.u32 @!p0 $0xF7A, s2;
	p2 =	seq.s32 @!p0 s5, $0x0  }
0x1f: {  	s9 =	smul.u32 $0xF7A, s1;
	s8 =	simm.s32 @!p0 $0x1BF5;
	p2 =	por !p2, p0  }
0x20: {  	[sflag:s8] =	ssyncset.s32 @!p0 $0xFFFFF086;
	s6 =	sadd.s32 @!p0 s3, s7;
	s7 =	simm.s32 @!p0 $0x108  }
0x21: {  	s3 =	sadd.s32 s3, s9;
	s6 =	sadd.s32 @!p0 $0x88, s6;
	s7 =	simm.s32 @p2 $0x1082  }
0x22: {  	[simem:s7], [sflag:s8] =	dma.local @!p0 [hbm:s6], $0xF7A  }
0x23: {  	s9 =	sor.u32 $0xD0000000, s2;
	s6 =	simm.s32 $0x108;
	_ =	swait.ge @!p0 [sflag:s8], $0x0  }
0x24: {  	s3 =	sadd.s32 $0x88, s3;
	s6 =	simm.s32 @!p1 $0x1082;
	[sflag:s4] =	ssyncset.s32 $0xFFFFF086  }
0x25: {  	[simem:s6], [sflag:s4] =	dma.local [hbm:s3], $0xF7A  }
0x26: {  	[smem:$0x3F9D] =	sst s1;
	(tag) =	ssettag s2;
	_ =	strace s9  }
0x27: {  	s1 =	sld [smem:$0x3FAD]  }
0x28: {  	s2 =	sld [smem:$0x3FAE]  }
0x29: {  	s4 =	sld [smem:$0x3FB0]  }
0x2a: {  	p0 =	seq.s32 s5, $0x0;
	s5 =	sld [smem:$0x3FB1]  }
0x2b: {  	s6 =	sld [smem:$0x3FB2]  }
0x2c: {  	s7 =	sld [smem:$0x3FB3]  }
0x2d: {  	s3 =	simm.s32 $0x108;
	s8 =	sld [smem:$0x3FB4]  }
0x2e: {  	s3 =	simm.s32 @!p0 $0x1082;
	s9 =	sld [smem:$0x3FB5]  }
0x2f: {  	lr =	sadd.s32 s0, s3;
	s0 =	sld [smem:$0x3FAC]  }
0x30: {  	s3 =	sld [smem:$0x3FAF]  }
0x31: {  	[smem:$0x3FB8] =	sst s10  }
0x32: {  	s10 =	sld [smem:$0x3FB6];
	_ =	sdelay $0x3  }
0x33: {  	p0 =	seq.s32 s10, $0x1;
	s10 =	sld [smem:$0x3FB8];
	_ =	sdelay $0x3  }
0x34: {  	[smem:$0x3FB8] =	sst s10  }
0x35: {  	s10 =	sld [smem:$0x3FB7];
	_ =	sdelay $0x3  }
0x36: {  	p1 =	seq.s32 s10, $0x1;
	s10 =	sld [smem:$0x3FB8];
	_ =	sdelay $0x3  }
0x37: {  	[smem:$0x3FB8] =	sst s10  }
0x38: {  	s10 =	sld [smem:$0x3FB9]  }
0x39: {  	_ = 	snop;
	(pc) =	sbr.ind lr, $3  }
0x3a: {  	_ = 	snop  }
0x3b: {  	_ = 	snop  }
0x3c: {  	p2 =	seq.s32 s10, $0x1;
	s10 =	sld [smem:$0x3FB8]  }
0x3d: {  	_ =	shalt  }
0x3e: {  	_ =	shalt  }
0x3f: {  	_ =	shalt  }
0x40: {  	_ =	shalt  }
0x41: {  	_ =	shalt  }
0x42: {  	_ =	shalt  }
0x43: {  	_ =	shalt  }
0x44: {  	_ =	shalt  }
0x45: {  	_ =	shalt  }
0x46: {  	_ =	shalt  }
0x47: {  	_ =	shalt  }
0x48: {  	_ =	shalt  }
0x49: {  	_ =	shalt  }
0x4a: {  	_ =	shalt  }
0x4b: {  	_ =	shalt  }
0x4c: {  	_ =	shalt  }
0x4d: {  	_ =	shalt  }
0x4e: {  	_ =	shalt  }
0x4f: {  	_ =	shalt  }
0x50: {  	_ =	shalt  }
0x51: {  	_ =	shalt  }
0x52: {  	_ =	shalt  }
0x53: {  	_ =	shalt  }
0x54: {  	_ =	shalt  }
0x55: {  	_ =	shalt  }
0x56: {  	_ =	shalt  }
0x57: {  	_ =	shalt  }
0x58: {  	_ =	shalt  }
0x59: {  	_ =	shalt  }
0x5a: {  	_ =	shalt  }
0x5b: {  	_ =	shalt  }
0x5c: {  	_ =	shalt  }
0x5d: {  	_ =	shalt  }
0x5e: {  	_ =	shalt  }
0x5f: {  	_ =	shalt  }
0x60: {  	_ =	shalt  }
0x61: {  	_ =	shalt  }
0x62: {  	_ =	shalt  }
0x63: {  	_ =	shalt  }
0x64: {  	_ =	shalt  }
0x65: {  	_ =	shalt  }
0x66: {  	_ =	shalt  }
0x67: {  	_ =	shalt  }
0x68: {  	_ =	shalt  }
0x69: {  	_ =	shalt  }
0x6a: {  	_ =	shalt  }
0x6b: {  	_ =	shalt  }
0x6c: {  	_ =	shalt  }
0x6d: {  	_ =	shalt  }
0x6e: {  	_ =	shalt  }
0x6f: {  	_ =	shalt  }
0x70: {  	_ =	shalt  }
0x71: {  	_ =	shalt  }
0x72: {  	_ =	shalt  }
0x73: {  	_ =	shalt  }
0x74: {  	_ =	shalt  }
0x75: {  	_ =	shalt  }
0x76: {  	_ =	shalt  }
0x77: {  	_ =	shalt  }
0x78: {  	_ =	shalt  }
0x79: {  	_ =	shalt  }
0x7a: {  	_ =	shalt  }
0x7b: {  	_ =	shalt  }
0x7c: {  	_ =	shalt  }
0x7d: {  	_ =	shalt  }
0x7e: {  	_ =	shalt  }
0x7f: {  	_ =	shalt  }
0x80: {  	_ =	shalt  }
0x81: {  	_ =	shalt  }
0x82: {  	_ =	shalt  }
0x83: {  	_ =	shalt  }
0x84: {  	_ =	shalt  }
0x85: {  	_ =	shalt  }
0x86: {  	_ =	shalt  }
0x87: {  	_ =	shalt  }
.Lfunc_end0:
.L_simem_size_0:
called_computation_lowered:
.L_overlay_start_0:
0x88: {  	s2 =	sld [smem:$0x3FD9]  }
0x89: {  	s3 =	sld [smem:$0x3FFE];
	_ =	sdelay $0x1  }
0x8a: {  	s1 =	srdreg.scid  }
0x8b: {  	s0 =	sand.u32 $0x1, s1  }
0x8c: {  	s17 =	sshll.u32 s0, $0xA;
	s2 =	sadd.s32 s3, s2  }
0x8d: {  	s2 =	sadd.s32 s2, s17  }
0x8e: {  	[smem:$0x3FC4] =	sst s2  }
0x8f: {  	_ = 	snop  }
0x90: {  	s2 =	sld [smem:$0x3FC9]  }
0x91: {  	s18 =	sld [smem:$0x3FD0];
	(tm) =	ssettm $0x1  }
0x92: {  	s4 =	sld [smem:$0x3FFB];
	_ =	sdelay $0x3  }
0x93: {  	_ =	strace s4  }
0x94: {  	s4 =	sld [smem:$0x3FFC];
	_ =	sdelay $0x3  }
0x95: {  	_ =	strace s4  }
0x96: {  	s4 =	sld [smem:$0x3FFD];
	_ =	sdelay $0x3  }
0x97: {  	_ =	strace s4  }
0x98: {  	_ =	strace $0x8FFFFFFF  }
0x99: {  	s19 =	sld [smem:$0x3FDB];
	_ =	sdelay $0x1  }
0x9a: {  	s5 =	simm.s32 $_scs_section_size  }
0x9b: {  	s6 =	simm.s32 $_size__tile_overlayer_lowered;
	s7 =	simm.s32 $_tile_overlayer_lowered  }
0x9c: {  	s22 =	simm.s32 $0x1BFF;
	s21 =	sshll.u32 s7, $0x1;
	s4 =	sadd.s32 s5, s19  }
0x9d: {  	s8 =	simm.s32 $0x0;
	s20 =	sshll.u32 s6, $0x1;
	s6 =	sadd.s32 s21, s4  }
0x9e: {  	[timem:s8], [sflag:s22] =	dma.local [hbm:s6], s20  }
0x9f: {  	_ =	swait.ge [sflag:s22], s20  }
0xa0: {  	s5 =	ssub.s32 $0x0, s20;
	[sflag:s22] =	ssyncset.done $0x0  }
0xa1: {  	[sflag:s22] =	ssyncadd.s32 s5;
	_ =	sdelay $0x1  }
0xa2: {  	s23 =	simm.s32 $0x1B8B  }
0xa3: {  	_ =	swait.ge [sflag:s23], $0x1  }
0xa4: {  	[sflag:s23] =	ssyncset.done $0x0  }
0xa5: {  	s25 =	simm.s32 $0x1B8E;
	s24 =	sld [smem:$0x3FFE];
	[sflag:s23] =	ssyncadd.s32 $0xFFFFFFFF  }
0xa6: {  	s26 =	simm.s32 $execute0_lowered;
	[smem:$0x3FD2] =	sst s25  }
0xa7: {  	s6 =	sshll.u32 s26, $0x1;
	_ =	strace $0x80000046;
	[dreg:$0x1] =	wrdreg $0xFFFFFFFF  }
0xa8: {  	s28 =	simm.s32 $_size_execute0_lowered;
	s4 =	sadd.s32 s4, s6;
	[dreg:$0x0] =	wrdreg $0x0  }
0xa9: {  	s6 =	sshll.u32 s28, $0x1;
	[dreg:$0x2] =	wrdreg s4  }
0xaa: {  	[dreg:$0x3] =	wrdreg s6  }
0xab: {  	[dreg:$0x4] =	wrdreg $0xC0  }
0xac: {  	_ =	task [dreg:s8], $0x5FFFF  }
0xad: {  	[dreg:$0x1] =	wrdreg $0xFFFFFFFF  }
0xae: {  	[dreg:$0x0] =	wrdreg $0x60  }
0xaf: {  	[dreg:$0x2] =	wrdreg s2  }
0xb0: {  	[dreg:$0x3] =	wrdreg s18  }
0xb1: {  	[dreg:$0x4] =	wrdreg s24  }
0xb2: {  	[dreg:$0x5] =	wrdreg $0x0  }
0xb3: {  	[dreg:$0x6] =	wrdreg $0x140000  }
0xb4: {  	[dreg:$0x7] =	wrdreg $0x9  }
0xb5: {  	_ =	task.clear_ibuf [dreg:s8], $0x8FFFF;
	_ =	strace $0x90000046  }
0xb6: {  	s29 =	simm.s32 $0x9;
	_ =	strace $0x80000048  }
0xb7: {  	_ =	swait.ge [sflag:s29], $0x1  }
0xb8: {  	[sflag:s29] =	ssyncadd.s32 $0xFFFFFFFF  }
0xb9: {  	_ =	strace $0x90000048  }
0xba: {  	_ =	sfence  }
0xbb: {  	s30 =	sld [smem:$0x0];
	_ =	sdelay $0x2  }
0xbc: {  	s31 =	sshll.u32 s1, $0xD;
	s1 =	sshrl.u32 s1, $0x2  }
0xbd: {  	s3 =	sand.u32 $0x4000, s31;
	s1 =	sadd.s32 s1, s30  }
0xbe: {  	s0 =	sor.u32 s3, s0;
	s1 =	sshll.u32 s1, $0x11  }
0xbf: {  	s0 =	sor.u32 s1, s0  }
0xc0: {  	s0 =	sadd.s32 $0x8F2B, s0  }
0xc1: {  	[sflag:s0] =	ssyncadd.remote.s32 $0x1  }
0xc2: {  	_ =	sfence.sel $0xFFFF  }
0xc3: {  	[dreg:$0x0] =	wrdreg $0xFFFFFFFF;
	(pc) =	sbr.abs _section_cstart, $3  }
0xc4: {  	[dreg:$0x1] =	wrdreg $0xFFFFFFFF  }
0xc5: {  	_ =	task.clear_ibuf [dreg:s8], $0x2FFFF;
	_ =	strace $0x9FFFFFFF  }
0xc6: {  	(tm) =	ssettm $0x7FFFFFFF  }
0xc7: {  	_ =	shalt  }
tec
execute0_lowered:
.L_overlay_start_1:
0x0: {  	(tag) =	ssettag $0x1  }
0x1: {  	s0 =	rddreg [dreg:$0x0]  }
0x2: {  	s12 =	rddreg [dreg:$0x1]  }
0x3: {  	s7 =	rddreg [dreg:$0x2]  }
0x4: {  	s1 =	srdreg.scid;
	s3 =	rddreg [dreg:$0x3]  }
0x5: {  	s4 =	rddreg [dreg:$0x4];
	s5 =	simm.s32 $0x0;
	s18 =	simm.s32 $0x2  }
0x6: {  	s19 =	simm.s32 $0x1D300;
	s20 =	simm.s32 $0x14280;
	s21 =	simm.s32 $0x16A80  }
0x7: {  	s22 =	simm.s32 $0x80;
	s23 =	simm.s32 $0x1;
	s6 =	sand.u32 $0x1, s1  }
0x8: {  	s24 =	simm.s32 $0x1D280;
	s1 =	stileid.u32;
	s8 =	smul.u32 $0x140000, s6  }
0x9: {  	s25 =	simm.s32 $0x20;
	s26 =	simm.s32 $0x10;
	s9 =	smul.u32 $0x14000, s1  }
0xa: {  	[smem:$0x7FF] =	sst s5;
	s2 =	sshll.u32 s6, $0x4;
	s10 =	smul.u32 $0x500, s1  }
0xb: {  	_ =	strace $0x80000047;
	s28 =	sshll.u32 s6, $0x7;
	s29 =	smul.u32 $0x50000, s1  }
0xc: {  	s6 =	ssub.s32 $0x2, s6;
	s11 =	smul.u32 $0xA00, s1;
	s2 =	sor.u32 s1, s2  }
0xd: {  	s31 =	sshrl.u32 s6, $0x1;
	s13 =	smul.u32 $0x500, s2;
	s8 =	sadd.s32 s9, s8  }
0xe: {  	s9 =	sor.u32 s28, s10;
	s10 =	sshrl.u32 s29, $0x2;
	s17 =	ssub.s32 s6, s31  }
0xf: {  	s11 =	sshrl.u32 s11, $0x2;
	s8 =	sshrl.u32 s8, $0x3;
	s30 =	sshrl.u32 s9, $0x3  }
0x10: {  	s6 =	sadd.s32 s10, s3;
	s11 =	sadd.s32 s11, s4;
	s14 =	sadd.s32 s13, s7  }
0x11: {  	s15 =	sadd.s32 s8, s7;
	s16 =	sadd.s32 s30, s7;
	s7 =	sadd.s32 $0x4000, s6  }
0x12: {  	s8 =	sadd.s32 $0x8000, s6;
	s9 =	sadd.s32 $0xC000, s6;
	s10 =	sadd.s32 $0x10000, s6  }
0x13: {  	s12 =	sadd.s32 s12, s13;
	s13 =	sadd.s32 $0xE00, s14;
	s14 =	sadd.s32 $0xB800, s15  }
0x14: {  	v0 =	vimm.f32 $1.000000000e+00;
	v1 =	vimm.f32 $0.0e+00;
	s15 =	sadd.s32 $0xAE00, s16;
	s16 =	smax.u32 s17, $0x1;
	s17 =	simm.s32 $0x19280  }
.LBB2_1:
0x15: {  	[tilespmem:$0x1D280] =	vst v0  }
0x16: {  	[tilespmem:$0x1D290] =	vst v0  }
0x17: {  	[tilespmem:$0x1D2A0] =	vst v0  }
0x18: {  	[tilespmem:$0x1D2B0] =	vst v0  }
0x19: {  	[tilespmem:$0x1D2C0] =	vst v0  }
0x1a: {  	[tilespmem:$0x1D2D0] =	vst v0  }
0x1b: {  	[tilespmem:$0x1D2E0] =	vst v0  }
0x1c: {  	[tilespmem:$0x1D2F0] =	vst v0;
	s28 =	simm.s32 $0x0;
	s29 =	simm.s32 $0x200  }
.LBB2_2:
0x1d: {  	p0 =	sne.s32 s29, $0xFE00;
	[tilespmem:s28+$0x192F0] =	vst v1  }
0x1e: {  	[tilespmem:s28+$0x19280] =	vst v1  }
0x1f: {  	[tilespmem:s28+$0x19290] =	vst v1  }
.Ltmp0:
0x20: {  	[tilespmem:s28+$0x192A0] =	vst v1;
	(pc) =	sbr.rel @p0 .LBB2_2-.Ltmp0, $4  }
0x21: {  	[tilespmem:s28+$0x192B0] =	vst v1  }
0x22: {  	[tilespmem:s28+$0x192C0] =	vst v1  }
0x23: {  	[tilespmem:s28+$0x192D0] =	vst v1  }
0x24: {  	[tilespmem:s28+$0x192E0] =	vst v1;
	s28 =	sshra.s32 s29, $0x2;
	s29 =	sadd.s32 $0x200, s29  }
0x25: {  	[tilespmem:s28+$0x192F0] =	vst v1  }
0x26: {  	[tilespmem:s28+$0x19280] =	vst v1  }
0x27: {  	[tilespmem:s28+$0x19290] =	vst v1  }
0x28: {  	[tilespmem:s28+$0x192A0] =	vst v1  }
0x29: {  	[tilespmem:s28+$0x192B0] =	vst v1  }
0x2a: {  	[tilespmem:s28+$0x192C0] =	vst v1  }
0x2b: {  	[tilespmem:s28+$0x192D0] =	vst v1  }
0x2c: {  	[tilespmem:s28+$0x192E0] =	vst v1  }
0x2d: {  	[tilespmem:$0x1D300] =	vst v1  }
0x2e: {  	[tilespmem:$0x1D310] =	vst v1  }
0x2f: {  	[tilespmem:$0x1D320] =	vst v1  }
0x30: {  	[tilespmem:$0x1D330] =	vst v1  }
0x31: {  	[tilespmem:$0x1D340] =	vst v1  }
0x32: {  	[tilespmem:$0x1D350] =	vst v1  }
0x33: {  	[tilespmem:$0x1D360] =	vst v1  }
0x34: {  	[tilespmem:$0x1D370] =	vst v1  }
0x35: {  	[tilespmem:$0x1D380] =	vst v1  }
0x36: {  	[tilespmem:$0x1D390] =	vst v1  }
0x37: {  	[tilespmem:$0x1D3A0] =	vst v1  }
0x38: {  	[tilespmem:$0x1D3B0] =	vst v1  }
0x39: {  	[tilespmem:$0x1D3C0] =	vst v1  }
0x3a: {  	[tilespmem:$0x1D3D0] =	vst v1  }
0x3b: {  	[tilespmem:$0x1D3E0] =	vst v1  }
0x3c: {  	[tilespmem:$0x1D3F0] =	vst v1  }
0x3d: {  	[tilespmem:$0x1D400] =	vst v1  }
0x3e: {  	[tilespmem:$0x1D410] =	vst v1  }
0x3f: {  	[tilespmem:$0x1D420] =	vst v1  }
0x40: {  	[tilespmem:$0x1D430] =	vst v1  }
0x41: {  	[tilespmem:$0x1D440] =	vst v1  }
0x42: {  	[tilespmem:$0x1D450] =	vst v1  }
0x43: {  	[tilespmem:$0x1D460] =	vst v1  }
0x44: {  	[tilespmem:$0x1D470] =	vst v1  }
0x45: {  	[tilespmem:$0x1D480] =	vst v1  }
0x46: {  	[tilespmem:$0x1D490] =	vst v1  }
0x47: {  	[tilespmem:$0x1D4A0] =	vst v1  }
0x48: {  	[tilespmem:$0x1D4B0] =	vst v1  }
0x49: {  	[tilespmem:$0x1D4C0] =	vst v1  }
0x4a: {  	[tilespmem:$0x1D4D0] =	vst v1  }
0x4b: {  	[tilespmem:$0x1D4E0] =	vst v1  }
0x4c: {  	[tilespmem:$0x1D4F0] =	vst v1  }
0x4d: {  	[tilespmem:$0x1D500] =	vst v1  }
0x4e: {  	[tilespmem:$0x1D510] =	vst v1  }
0x4f: {  	[tilespmem:$0x1D520] =	vst v1  }
0x50: {  	[tilespmem:$0x1D530] =	vst v1  }
0x51: {  	[tilespmem:$0x1D540] =	vst v1  }
0x52: {  	[tilespmem:$0x1D550] =	vst v1  }
0x53: {  	[tilespmem:$0x1D560] =	vst v1  }
0x54: {  	[tilespmem:$0x1D570] =	vst v1  }
0x55: {  	[spmem:s6] =	stream.linear.scatter [tilespmem:s17], [sflag:$0x2], $0x4000, $0x38;
	[tilespmem:$0x1D580] =	vst v63  }
0x56: {  	_ =	swait.ge [sflag:s18], $0x4000  }
0x57: {  	[sflag:s18] =	ssyncset.done $0x0  }
0x58: {  	[sflag:s18] =	ssyncadd.s32 $0xFFFFC000  }
0x59: {  	[spmem:s7] =	stream.linear.scatter [tilespmem:s17], [sflag:$0x2], $0x4000, $0x38;
	[tilespmem:$0x1D580] =	vst v63  }
0x5a: {  	_ =	swait.ge [sflag:s18], $0x4000  }
0x5b: {  	[sflag:s18] =	ssyncset.done $0x0  }
0x5c: {  	[sflag:s18] =	ssyncadd.s32 $0xFFFFC000  }
0x5d: {  	[spmem:s8] =	stream.linear.scatter [tilespmem:s17], [sflag:$0x2], $0x4000, $0x38;
	[tilespmem:$0x1D580] =	vst v63  }
0x5e: {  	_ =	swait.ge [sflag:s18], $0x4000  }
0x5f: {  	[sflag:s18] =	ssyncset.done $0x0  }
0x60: {  	[sflag:s18] =	ssyncadd.s32 $0xFFFFC000  }
0x61: {  	[spmem:s9] =	stream.linear.scatter [tilespmem:s17], [sflag:$0x2], $0x4000, $0x38;
	[tilespmem:$0x1D580] =	vst v63  }
0x62: {  	_ =	swait.ge [sflag:s18], $0x4000  }
0x63: {  	[sflag:s18] =	ssyncset.done $0x0  }
0x64: {  	[sflag:s18] =	ssyncadd.s32 $0xFFFFC000  }
0x65: {  	[spmem:s10] =	stream.linear.scatter [tilespmem:s17], [sflag:$0x2], $0x4000, $0x38;
	[tilespmem:$0x1D580] =	vst v63  }
0x66: {  	_ =	swait.ge [sflag:s18], $0x4000  }
0x67: {  	[sflag:s18] =	ssyncset.done $0x0  }
0x68: {  	[sflag:s18] =	ssyncadd.s32 $0xFFFFC000  }
0x69: {  	[spmem:s11] =	stream.linear.scatter [tilespmem:s19], [sflag:$0x2], $0x280, $0x38;
	[tilespmem:$0x1D580] =	vst v63  }
0x6a: {  	_ =	swait.ge [sflag:s18], $0x280  }
0x6b: {  	[sflag:s18] =	ssyncset.done $0x0  }
0x6c: {  	[sflag:s18] =	ssyncadd.s32 $0xFFFFFD80  }
0x6d: {  	s28 =	simm.s32 $0x0;
	[bflag:$0x0] =	sbarrier.arrive $0xFFFF  }
0x6e: {  	[tilespmem:s20], [sflag:$0x2] =	stream.linear.gather [hbm4b:s12+s28], $0x2780, $0x38;
	[tilespmem:$0x1D580] =	vst v63  }
0x6f: {  	_ =	swait.ge [sflag:s18], $0x2780  }
0x70: {  	[sflag:s18] =	ssyncset.done $0x0  }
0x71: {  	[sflag:s18] =	ssyncadd.s32 $0xFFFFD880  }
0x72: {  	[tilespmem:s21], [sflag:$0x2] =	stream.linear.gather [hbm4b:s13+s28], $0x2780, $0x38;
	[tilespmem:$0x1D580] =	vst v63  }
0x73: {  	_ =	swait.ge [sflag:s18], $0x2780  }
0x74: {  	[sflag:s18] =	ssyncset.done $0x0  }
0x75: {  	s28 =	simm.s32 $0x14280;
	[sflag:s18] =	ssyncadd.s32 $0xFFFFD880  }
0x76: {  	[tilespmem:s17], [sflag:$0x1] =	stream.indirect.gather [hbm4b:s0+s22], $0x80, s28, s22, $0xb8;
	[tilespmem:$0x1D580] =	vst v63  }
0x77: {  	_ =	swait.ge [sflag:s23], $0x4000  }
0x78: {  	[sflag:s23] =	ssyncset.done $0x0  }
0x79: {  	s28 =	simm.s32 $0x16A80;
	[sflag:s23] =	ssyncadd.s32 $0xFFFFC000  }
0x7a: {  	[spmem:s3] =	stream.indirect.scatter.add.f32 [tilespmem:s17], [sflag:$0x2], $0x80, s28, s22, $0xb8;
	[tilespmem:$0x1D580] =	vst v63  }
0x7b: {  	_ =	swait.ge [sflag:s18], $0x4000  }
0x7c: {  	[sflag:s18] =	ssyncset.done $0x0  }
0x7d: {  	[sflag:s18] =	ssyncadd.s32 $0xFFFFC000  }
0x7e: {  	[spmem:s4] =	stream.indirect.scatter.add.f32 [tilespmem:s24], [sflag:$0x2], $0x1, s28, s22, $0xb8;
	[tilespmem:$0x1D580] =	vst v63  }
0x7f: {  	_ =	swait.ge [sflag:s18], $0x80  }
0x80: {  	s29 =	simm.s32 $0x400;
	s28 =	simm.s32 $0x80;
	[sflag:s18] =	ssyncset.done $0x0  }
.LBB2_4:
0x81: {  	s30 =	sadd.s32 $0x14280, s28  }
0x82: {  	[sflag:s18] =	ssyncadd.s32 $0xFFFFFF80;
	s31 =	smov.u32 s29;
	s2 =	sadd.s32 $0x200, s29  }
0x83: {  	[tilespmem:s17], [sflag:$0x1] =	stream.indirect.gather [hbm4b:s0+s22], $0x80, s30, s22, $0xb8;
	[tilespmem:$0x1D580] =	vst v63  }
0x84: {  	p0 =	sne.s32 s29, $0x9C00;
	_ =	swait.ge [sflag:s23], $0x4000  }
0x85: {  	[sflag:s23] =	ssyncset.done $0x0  }
0x86: {  	s28 =	sadd.s32 $0x16A80, s28;
	[sflag:s23] =	ssyncadd.s32 $0xFFFFC000  }
0x87: {  	[spmem:s3] =	stream.indirect.scatter.add.f32 [tilespmem:s17], [sflag:$0x2], $0x80, s28, s22, $0xb8;
	[tilespmem:$0x1D580] =	vst v63  }
0x88: {  	_ =	swait.ge [sflag:s18], $0x4000  }
.Ltmp1:
0x89: {  	[sflag:s18] =	ssyncset.done $0x0;
	(pc) =	sbr.rel @p0 .LBB2_4-.Ltmp1, $4  }
0x8a: {  	[sflag:s18] =	ssyncadd.s32 $0xFFFFC000  }
0x8b: {  	[spmem:s4] =	stream.indirect.scatter.add.f32 [tilespmem:s24], [sflag:$0x2], $0x1, s28, s22, $0xb8;
	[tilespmem:$0x1D580] =	vst v63  }
0x8c: {  	_ =	swait.ge [sflag:s18], $0x80  }
0x8d: {  	s29 =	smov.u32 s2;
	s28 =	sshra.s32 s31, $0x2;
	[sflag:s18] =	ssyncset.done $0x0  }
0x8e: {  	s2 =	sadd.s32 $0x14280, s28;
	[sflag:s18] =	ssyncadd.s32 $0xFFFFFF80  }
0x8f: {  	[tilespmem:s17], [sflag:$0x1] =	stream.indirect.gather [hbm4b:s0+s22], $0x80, s2, s22, $0xb8;
	[tilespmem:$0x1D580] =	vst v63  }
0x90: {  	_ =	swait.ge [sflag:s23], $0x4000  }
0x91: {  	[sflag:s23] =	ssyncset.done $0x0  }
0x92: {  	s28 =	sadd.s32 $0x16A80, s28;
	[sflag:s23] =	ssyncadd.s32 $0xFFFFC000  }
0x93: {  	[spmem:s3] =	stream.indirect.scatter.add.f32 [tilespmem:s17], [sflag:$0x2], $0x80, s28, s22, $0xb8;
	[tilespmem:$0x1D580] =	vst v63  }
0x94: {  	_ =	swait.ge [sflag:s18], $0x4000  }
0x95: {  	[sflag:s18] =	ssyncset.done $0x0  }
0x96: {  	[sflag:s18] =	ssyncadd.s32 $0xFFFFC000  }
0x97: {  	[spmem:s4] =	stream.indirect.scatter.add.f32 [tilespmem:s24], [sflag:$0x2], $0x1, s28, s22, $0xb8;
	[tilespmem:$0x1D580] =	vst v63  }
0x98: {  	_ =	swait.ge [sflag:s18], $0x80  }
0x99: {  	[sflag:s18] =	ssyncset.done $0x0  }
0x9a: {  	s29 =	sshll.u32 s1, $0x6;
	[sflag:s18] =	ssyncadd.s32 $0xFFFFFF80  }
0x9b: {  	s30 =	sshrl.u32 s6, $0x3;
	s2 =	sor.u32 $0x1C02, s29;
	[bflag:$0x0] =	sbarrier.arrive $0xFFFF  }
0x9c: {  	[hbm:s14], [sflag:s2] =	dma.local [spmem:s30], $0x2800  }
0x9d: {  	s5 =	sadd.s32 $0x1, s5;
	_ =	swait.ge [sflag:s18], $0x2800  }
0x9e: {  	p0 =	sne.s32 s5, s16;
	[sflag:s18] =	ssyncset.done $0x0  }
.Ltmp2:
0x9f: {  	s31 =	sshrl.u32 s11, $0x3;
	[sflag:s18] =	ssyncadd.s32 $0xFFFFD800;
	(pc) =	sbr.rel @p0 .LBB2_1-.Ltmp2, $4  }
0xa0: {  	[hbm:s15@s25], [sflag:s2] =	dma.strided [spmem:s31@s26], $0x50, s23, $0x10   }
0xa1: {  	_ =	swait.ge [sflag:s18], $0x50  }
0xa2: {  	[sflag:s18] =	ssyncset.done $0x0  }
0xa3: {  	[sflag:s18] =	ssyncadd.s32 $0xFFFFFFB0  }
0xa4: {  	_ =	sfence.sel $0x180000  }
0xa5: {  	[bflag:$0x0] =	sbarrier.arrive $0xFFFF  }
0xa6: {  	_ =	strace $0x90000047  }
0xa7: {  	[bflag:$0x2] =	sbarrier.arrive $0xFFFF  }
0xa8: {  	p0 =	sne.s32 s1, $0x0;
	s0 =	rddreg [dreg:$0x5]  }
0xa9: {  	s0 =	sadd.s32 @!p0 $0x100000, s0  }
0xaa: {  	[sflag:s0] =	ssyncadd.tile.s32 @!p0 $0x1;
	_ =	shalt  }
.Lfunc_end2:
_tile_overlayer_lowered:
.L_overlay_start_2:
0xab: {  	(tag) =	ssettag $0x2  }
0xac: {  	s0 =	rddreg [dreg:$0x0];
	s2 =	stileid.u32  }
0xad: {  	s1 =	rddreg [dreg:$0x1];
	p0 =	sne.s32 s2, $0x0  }
0xae: {  	s3 =	rddreg [dreg:$0x2];
	[bflag:$0x3] =	sbarrier.arrive $0xFFFF;
	s2 =	simm.s32 @!p0 $0x1C02  }
0xaf: {  	[timem:s3], [sflag:s2] =	dma.local @!p0 [hbm:s0], s1  }
0xb0: {  	s0 =	simm.s32 @!p0 $0x2  }
0xb1: {  	_ =	swait.ge @!p0 [sflag:s0], s1  }
0xb2: {  	s1 =	ssub.s32 @!p0 $0x0, s1;
	[sflag:s0] =	ssyncset.done @!p0 $0x0  }
0xb3: {  	[sflag:s0] =	ssyncadd.s32 @!p0 s1  }
0xb4: {  	[bflag:$0x3] =	sbarrier.arrive $0xFFFF  }
0xb5: {  	_ =	shalt  }

</sc_bundles>
